<compile_context>
chip_gen: v7x
topology: tpu7x:2x2x1
jax: 0.10.2.dev20260603
libtpu: 0.0.44.dev20260713+nightly
codegen_flags: <defaults>
</compile_context>

<pallas_src>
import functools

import jax
import jax.numpy as jnp
from jax import lax
from jax.experimental import pallas as pl
from jax.experimental.pallas import tpu as pltpu
from jax.experimental.pallas import tpu_sc as plsc

_NC = 2
_NS = 16
_L = 16
_NW = _NC * _NS

_ROW_CHUNK = 16
_NBUF = 2
_UNROLL = 16


def _make_sc_call(nrows: int, ncols: int, hi: float):
    rows_per_w = nrows // _NW
    n_chunks = rows_per_w // _ROW_CHUNK
    chunk = _ROW_CHUNK * ncols
    mesh = plsc.VectorSubcoreMesh(
        core_axis_name="c", subcore_axis_name="s",
        num_cores=_NC, num_subcores=_NS)

    @functools.partial(
        pl.kernel,
        out_type=jax.ShapeDtypeStruct((nrows, ncols), jnp.float32),
        mesh=mesh,
        compiler_params=pltpu.CompilerParams(
            needs_layout_passes=False, use_tc_tiling_on_sc=True),
        scratch_types=(
            [pltpu.VMEM((32,), jnp.int32)] * 2
            + [pltpu.VMEM((_ROW_CHUNK, ncols), jnp.float32)] * (3 * _NBUF)
            + [pltpu.SemaphoreType.DMA] * (3 * _NBUF)
        ),
    )
    def sc_kernel(x_hbm, e_hbm, pm_hbm, ps_hbm, o_hbm, pm_v, ps_v, *rest):
        bufs = rest[:3 * _NBUF]
        sems = rest[3 * _NBUF:]
        xb, eb, ob = (bufs[:_NBUF], bufs[_NBUF:2 * _NBUF],
                      bufs[2 * _NBUF:])
        sx, se, so = (sems[:_NBUF], sems[_NBUF:2 * _NBUF],
                      sems[2 * _NBUF:])
        wid = lax.axis_index("s") * _NC + lax.axis_index("c")
        base = wid * rows_per_w
        pltpu.sync_copy(pm_hbm, pm_v)
        pltpu.sync_copy(ps_hbm, ps_v)

        def cin(ci, b):
            r0 = base + ci * _ROW_CHUNK
            return (
                pltpu.make_async_copy(
                    x_hbm.at[pl.ds(r0, _ROW_CHUNK), :], xb[b], sx[b]),
                pltpu.make_async_copy(
                    e_hbm.at[pl.ds(r0, _ROW_CHUNK), :], eb[b], se[b]),
            )

        def cout(ci, b):
            r0 = base + ci * _ROW_CHUNK
            return pltpu.make_async_copy(
                ob[b], o_hbm.at[pl.ds(r0, _ROW_CHUNK), :], so[b])

        def compute(xr, er, outr):
            @plsc.parallel_loop(0, chunk, step=_L, unroll=_UNROLL)
            def _body(i):
                r = i // ncols
                c = i - r * ncols
                xv = xr[r, pl.ds(c, _L)]
                t = xv * hi
                idx = t.astype(jnp.int32)
                gm = plsc.load_gather(pm_v, [idx])
                gs = plsc.load_gather(ps_v, [idx])
                c0m = plsc.bitcast(gm, jnp.float32)
                c1m = plsc.bitcast(gm << 16, jnp.float32)
                c0s = plsc.bitcast(gs, jnp.float32)
                c1s = plsc.bitcast(gs << 16, jnp.float32)
                ev = er[r, pl.ds(c, _L)]
                outr[r, pl.ds(c, _L)] = (
                    (c0m + t * c1m) + (c0s + t * c1s) * ev)

        for p in range(_NBUF - 1):
            for d in cin(p, p):
                d.start()

        def outer(g, _):
            for b in range(_NBUF):
                ci = _NBUF * g + b

                @pl.when(ci + _NBUF - 1 < n_chunks)
                def _():
                    for d in cin(ci + _NBUF - 1, (b + _NBUF - 1) % _NBUF):
                        d.start()

                for d in cin(ci, b):
                    d.wait()

                @pl.when(ci >= _NBUF)
                def _():
                    cout(ci - _NBUF, b).wait()

                compute(xb[b], eb[b], ob[b])
                cout(ci, b).start()
            return 0

        lax.fori_loop(0, n_chunks // _NBUF, outer, 0)
        for p in range(_NBUF):
            cout(n_chunks - _NBUF + p, p).wait()

    return sc_kernel


def _pack_bf16_pair(c0, c1, pad_to=32):
    lb = lax.bitcast_convert_type(
        c1.astype(jnp.bfloat16), jnp.uint16).astype(jnp.uint32)
    b = lax.bitcast_convert_type(c0.astype(jnp.float32), jnp.uint32)
    cand0 = (b & jnp.uint32(0xFFFF0000)) | lb
    cands = jnp.stack([cand0 - jnp.uint32(0x10000), cand0,
                       cand0 + jnp.uint32(0x10000)])
    vals = lax.bitcast_convert_type(cands, jnp.float32)
    best = jnp.argmin(jnp.abs(vals - c0[None, :]), axis=0)
    packed = lax.bitcast_convert_type(
        jnp.take_along_axis(cands, best[None, :], axis=0)[0], jnp.int32)
    pad = jnp.zeros((pad_to - packed.shape[0],), jnp.int32)
    return jnp.concatenate([packed, pad])


def kernel(x, means, stds, epsilon):
    nrows, ncols = x.shape
    num_levels = means.shape[0]
    scale = 1.0 / 4095.0
    m = means.astype(jnp.float32) * scale
    s = stds.astype(jnp.float32) * scale
    zero = jnp.zeros((1,), jnp.float32)
    dm = jnp.concatenate([m[1:] - m[:-1], zero])
    ds = jnp.concatenate([s[1:] - s[:-1], zero])
    f = jnp.arange(num_levels, dtype=jnp.float32)
    pm = _pack_bf16_pair(m - f * dm, dm)
    ps = _pack_bf16_pair(s - f * ds, ds)
    return _make_sc_call(nrows, ncols, float(num_levels - 1))(
        x, epsilon, pm, ps)

# --- scband reference (transcript-rebuilt; emitter-appended) ---
"""Pipeline reference for scband-real-channel-3599182594062 (READ-ONLY COPY).

The authoritative reference and input builder live on the scoring server;
editing this copy changes nothing except your own understanding.
"""

import jax, jax.numpy as jnp
import numpy as np

# Constants that the torch module derives from the CSV dataset.
DAC_MIN = 140
DAC_MAX = 170
NUM_LEVELS = DAC_MAX - DAC_MIN + 1  # 31
SENSOR_MIN = 0.0
SENSOR_MAX = 4095.0


def setup_inputs(seed: int = 0) -> dict:
    key = jax.random.key(seed)
    k1, k2, k3, k4 = jax.random.split(key, 4)
    # Latent vector from an encoder, values in [0, 1]
    x = jax.random.uniform(k1, (16384, 1024), dtype=jnp.float32)
    # Per-DAC-level channel statistics (buffers 'means' and 'stds' in the torch module).
    # Realistic monotone mean response plus jitter, and positive stds.
    base = jnp.linspace(500.0, 3500.0, NUM_LEVELS)
    means = (base + 20.0 * jax.random.uniform(k2, (NUM_LEVELS,), dtype=jnp.float32)).astype(jnp.float32)
    stds = (20.0 + 40.0 * jax.random.uniform(k3, (NUM_LEVELS,), dtype=jnp.float32)).astype(jnp.float32)
    # Channel noise (torch.randn_like(x)), materialized for determinism.
    epsilon = jax.random.normal(k4, (16384, 1024), dtype=jnp.float32)
    return {"x": x, "means": means, "stds": stds, "epsilon": epsilon}


def reference(x, means, stds, epsilon):
    num_levels = means.shape[0]
    idx_cont = x * (num_levels - 1)
    idx_floor = jnp.floor(idx_cont).astype(jnp.int32)
    idx_ceil = idx_floor + 1
    idx_floor = jnp.clip(idx_floor, 0, num_levels - 1)
    idx_ceil = jnp.clip(idx_ceil, 0, num_levels - 1)
    alpha = idx_cont - idx_floor.astype(jnp.float32)
    mean_floor = jnp.take(means, idx_floor, axis=0)
    mean_ceil = jnp.take(means, idx_ceil, axis=0)
    std_floor = jnp.take(stds, idx_floor, axis=0)
    std_ceil = jnp.take(stds, idx_ceil, axis=0)
    mu = (1.0 - alpha) * mean_floor + alpha * mean_ceil
    sigma = (1.0 - alpha) * std_floor + alpha * std_ceil
    y_real = mu + sigma * epsilon
    y_norm = (y_real - SENSOR_MIN) / (SENSOR_MAX - SENSOR_MIN)
    return y_norm

if __name__ == "__main__":
    import jax
    _d = setup_inputs()
    print(jax.jit(kernel)(*tuple(_d.values())))

</pallas_src>

<mosaic_0001>
#map = affine_map<(d0, d1) -> (0, 0)>
#map1 = affine_map<(d0, d1) -> (0)>
module attributes {stable_mosaic.version = 14 : i64} {
  func.func @sc_kernel(%arg0: i32, %arg1: i32, %arg2: memref<16384x1024xf32, #tpu.memory_space<hbm>>, %arg3: memref<16384x1024xf32, #tpu.memory_space<hbm>>, %arg4: memref<32xi32, #tpu.memory_space<hbm>>, %arg5: memref<32xi32, #tpu.memory_space<hbm>>, %arg6: memref<16384x1024xf32, #tpu.memory_space<hbm>>, %arg7: memref<32xi32, #tpu.memory_space<vmem>>, %arg8: memref<32xi32, #tpu.memory_space<vmem>>, %arg9: memref<16x1024xf32, #tpu.memory_space<vmem>>, %arg10: memref<16x1024xf32, #tpu.memory_space<vmem>>, %arg11: memref<16x1024xf32, #tpu.memory_space<vmem>>, %arg12: memref<16x1024xf32, #tpu.memory_space<vmem>>, %arg13: memref<16x1024xf32, #tpu.memory_space<vmem>>, %arg14: memref<16x1024xf32, #tpu.memory_space<vmem>>, %arg15: memref<!tpu.dma_semaphore, #tpu.memory_space<semaphore_mem>>, %arg16: memref<!tpu.dma_semaphore, #tpu.memory_space<semaphore_mem>>, %arg17: memref<!tpu.dma_semaphore, #tpu.memory_space<semaphore_mem>>, %arg18: memref<!tpu.dma_semaphore, #tpu.memory_space<semaphore_mem>>, %arg19: memref<!tpu.dma_semaphore, #tpu.memory_space<semaphore_mem>>, %arg20: memref<!tpu.dma_semaphore, #tpu.memory_space<semaphore_mem>>) attributes {dimension_semantics = [#tpu.dimension_semantics<core_parallel>, #tpu.dimension_semantics<subcore_parallel>], iteration_bounds = array<i64: 2, 16>, scalar_prefetch = 0 : i64, scratch_operands = 14 : i64, tpu.core_type = #tpu.core_type<sc_vector_subcore>, window_params = [{transform_indices = #map}, {transform_indices = #map}, {transform_indices = #map1}, {transform_indices = #map1}, {transform_indices = #map}]} {
    %mul3A = arith.constant 2 : i32
    %mul3A_0 = arith.muli %arg1, %mul3A : i32
    %add3A = arith.addi %mul3A_0, %arg0 : i32
    %mul3A_1 = arith.constant 512 : i32
    %mul3A_2 = arith.muli %add3A, %mul3A_1 : i32
    "tpu.region"() ({
      %run_scoped3A = tpu.sem_alloc : memref<!tpu.dma_semaphore, #tpu.memory_space<semaphore_mem>>
      tpu.enqueue_dma source(%arg4 : memref<32xi32, #tpu.memory_space<hbm>>) target(%arg7 : memref<32xi32, #tpu.memory_space<vmem>>) target_semaphore(%run_scoped3A : memref<!tpu.dma_semaphore, #tpu.memory_space<semaphore_mem>>)
      tpu.wait_dma2 semaphore(%run_scoped3A : memref<!tpu.dma_semaphore, #tpu.memory_space<semaphore_mem>>) src(%arg4 : memref<32xi32, #tpu.memory_space<hbm>>) dst(%arg7 : memref<32xi32, #tpu.memory_space<vmem>>)
      tpu.yield
    }) : () -> ()
    "tpu.region"() ({
      %run_scoped3A = tpu.sem_alloc : memref<!tpu.dma_semaphore, #tpu.memory_space<semaphore_mem>>
      tpu.enqueue_dma source(%arg5 : memref<32xi32, #tpu.memory_space<hbm>>) target(%arg8 : memref<32xi32, #tpu.memory_space<vmem>>) target_semaphore(%run_scoped3A : memref<!tpu.dma_semaphore, #tpu.memory_space<semaphore_mem>>)
      tpu.wait_dma2 semaphore(%run_scoped3A : memref<!tpu.dma_semaphore, #tpu.memory_space<semaphore_mem>>) src(%arg5 : memref<32xi32, #tpu.memory_space<hbm>>) dst(%arg8 : memref<32xi32, #tpu.memory_space<vmem>>)
      tpu.yield
    }) : () -> ()
    %add3A_3 = arith.constant 0 : i32
    %add3A_4 = arith.addi %mul3A_2, %add3A_3 : i32
    %dma_start3A = arith.constant 0 : i32
    %dma_start3A_5 = tpu.memref_slice %arg2[%add3A_4, %dma_start3A] : memref<16384x1024xf32, #tpu.memory_space<hbm>> -> memref<16x1024xf32, #tpu.memory_space<hbm>>
    %dma_start3A_6 = arith.constant 0 : i32
    %dma_start3A_7 = tpu.memref_slice %arg2[%add3A_4, %dma_start3A_6] : memref<16384x1024xf32, #tpu.memory_space<hbm>> -> memref<16x1024xf32, #tpu.memory_space<hbm>>
    tpu.enqueue_dma source(%dma_start3A_7 : memref<16x1024xf32, #tpu.memory_space<hbm>>) target(%arg9 : memref<16x1024xf32, #tpu.memory_space<vmem>>) target_semaphore(%arg15 : memref<!tpu.dma_semaphore, #tpu.memory_space<semaphore_mem>>)
    %dma_start3A_8 = arith.constant 0 : i32
    %dma_start3A_9 = tpu.memref_slice %arg3[%add3A_4, %dma_start3A_8] : memref<16384x1024xf32, #tpu.memory_space<hbm>> -> memref<16x1024xf32, #tpu.memory_space<hbm>>
    %dma_start3A_10 = arith.constant 0 : i32
    %dma_start3A_11 = tpu.memref_slice %arg3[%add3A_4, %dma_start3A_10] : memref<16384x1024xf32, #tpu.memory_space<hbm>> -> memref<16x1024xf32, #tpu.memory_space<hbm>>
    tpu.enqueue_dma source(%dma_start3A_11 : memref<16x1024xf32, #tpu.memory_space<hbm>>) target(%arg11 : memref<16x1024xf32, #tpu.memory_space<vmem>>) target_semaphore(%arg17 : memref<!tpu.dma_semaphore, #tpu.memory_space<semaphore_mem>>)
    %scan3A = arith.constant 0 : i32
    %scan3A_12 = arith.constant 0 : i32
    %scan3A_13 = arith.constant 16 : i32
    %scan3A_14 = arith.addi %scan3A_12, %scan3A_13 : i32
    %scan3A_15 = arith.constant 1 : i32
    %scan3A_16 = scf.for %scan3A_29 = %scan3A_12 to %scan3A_14 step %scan3A_15 iter_args(%scan3A_30 = %scan3A) -> (i32)  : i32 {
      %mul3A_31 = arith.constant 2 : i32
      %mul3A_32 = arith.muli %mul3A_31, %scan3A_29 : i32
      %add3A_33 = arith.constant 0 : i32
      %add3A_34 = arith.addi %mul3A_32, %add3A_33 : i32
      %add3A_35 = arith.constant 2 : i32
      %add3A_36 = arith.addi %add3A_34, %add3A_35 : i32
      %sub3A = arith.constant 1 : i32
      %sub3A_37 = arith.subi %add3A_36, %sub3A : i32
      %lt3A = arith.constant 32 : i32
      %lt3A_38 = arith.cmpi slt, %sub3A_37, %lt3A : i32
      %convert_element_type3A = arith.extui %lt3A_38 : i1 to i32
      %cond3A = arith.constant 0 : i32
      %cond3A_39 = arith.cmpi ne, %convert_element_type3A, %cond3A : i32
      scf.if %cond3A_39 {
        %add3A_104 = arith.constant 2 : i32
        %add3A_105 = arith.addi %add3A_34, %add3A_104 : i32
        %sub3A_106 = arith.constant 1 : i32
        %sub3A_107 = arith.subi %add3A_105, %sub3A_106 : i32
        %mul3A_108 = arith.constant 16 : i32
        %mul3A_109 = arith.muli %sub3A_107, %mul3A_108 : i32
        %add3A_110 = arith.addi %mul3A_2, %mul3A_109 : i32
        %dma_start3A_111 = arith.constant 0 : i32
        %dma_start3A_112 = tpu.memref_slice %arg2[%add3A_110, %dma_start3A_111] : memref<16384x1024xf32, #tpu.memory_space<hbm>> -> memref<16x1024xf32, #tpu.memory_space<hbm>>
        %dma_start3A_113 = arith.constant 0 : i32
        %dma_start3A_114 = tpu.memref_slice %arg2[%add3A_110, %dma_start3A_113] : memref<16384x1024xf32, #tpu.memory_space<hbm>> -> memref<16x1024xf32, #tpu.memory_space<hbm>>
        tpu.enqueue_dma source(%dma_start3A_114 : memref<16x1024xf32, #tpu.memory_space<hbm>>) target(%arg10 : memref<16x1024xf32, #tpu.memory_space<vmem>>) target_semaphore(%arg16 : memref<!tpu.dma_semaphore, #tpu.memory_space<semaphore_mem>>)
        %dma_start3A_115 = arith.constant 0 : i32
        %dma_start3A_116 = tpu.memref_slice %arg3[%add3A_110, %dma_start3A_115] : memref<16384x1024xf32, #tpu.memory_space<hbm>> -> memref<16x1024xf32, #tpu.memory_space<hbm>>
        %dma_start3A_117 = arith.constant 0 : i32
        %dma_start3A_118 = tpu.memref_slice %arg3[%add3A_110, %dma_start3A_117] : memref<16384x1024xf32, #tpu.memory_space<hbm>> -> memref<16x1024xf32, #tpu.memory_space<hbm>>
        tpu.enqueue_dma source(%dma_start3A_118 : memref<16x1024xf32, #tpu.memory_space<hbm>>) target(%arg12 : memref<16x1024xf32, #tpu.memory_space<vmem>>) target_semaphore(%arg18 : memref<!tpu.dma_semaphore, #tpu.memory_space<semaphore_mem>>)
      } else {
      }
      %mul3A_40 = arith.constant 16 : i32
      %mul3A_41 = arith.muli %add3A_34, %mul3A_40 : i32
      %add3A_42 = arith.addi %mul3A_2, %mul3A_41 : i32
      %dma_wait3A_43 = arith.constant 0 : i32
      %dma_wait3A_44 = tpu.memref_slice %arg2[%add3A_42, %dma_wait3A_43] : memref<16384x1024xf32, #tpu.memory_space<hbm>> -> memref<16x1024xf32, #tpu.memory_space<hbm>>
      %dma_wait3A_45 = arith.constant 0 : i32
      %dma_wait3A_46 = tpu.memref_slice %arg2[%add3A_42, %dma_wait3A_45] : memref<16384x1024xf32, #tpu.memory_space<hbm>> -> memref<16x1024xf32, #tpu.memory_space<hbm>>
      tpu.wait_dma2 semaphore(%arg15 : memref<!tpu.dma_semaphore, #tpu.memory_space<semaphore_mem>>) src(%dma_wait3A_46 : memref<16x1024xf32, #tpu.memory_space<hbm>>) dst(%arg9 : memref<16x1024xf32, #tpu.memory_space<vmem>>)
      %dma_wait3A_47 = arith.constant 0 : i32
      %dma_wait3A_48 = tpu.memref_slice %arg3[%add3A_42, %dma_wait3A_47] : memref<16384x1024xf32, #tpu.memory_space<hbm>> -> memref<16x1024xf32, #tpu.memory_space<hbm>>
      %dma_wait3A_49 = arith.constant 0 : i32
      %dma_wait3A_50 = tpu.memref_slice %arg3[%add3A_42, %dma_wait3A_49] : memref<16384x1024xf32, #tpu.memory_space<hbm>> -> memref<16x1024xf32, #tpu.memory_space<hbm>>
      tpu.wait_dma2 semaphore(%arg17 : memref<!tpu.dma_semaphore, #tpu.memory_space<semaphore_mem>>) src(%dma_wait3A_50 : memref<16x1024xf32, #tpu.memory_space<hbm>>) dst(%arg11 : memref<16x1024xf32, #tpu.memory_space<vmem>>)
      %ge3A = arith.constant 2 : i32
      %ge3A_51 = arith.cmpi sge, %add3A_34, %ge3A : i32
      %convert_element_type3A_52 = arith.extui %ge3A_51 : i1 to i32
      %cond3A_53 = arith.constant 0 : i32
      %cond3A_54 = arith.cmpi ne, %convert_element_type3A_52, %cond3A_53 : i32
      scf.if %cond3A_54 {
        %sub3A_104 = arith.constant 2 : i32
        %sub3A_105 = arith.subi %add3A_34, %sub3A_104 : i32
        %mul3A_106 = arith.constant 16 : i32
        %mul3A_107 = arith.muli %sub3A_105, %mul3A_106 : i32
        %add3A_108 = arith.addi %mul3A_2, %mul3A_107 : i32
        %dma_wait3A_109 = arith.constant 0 : i32
        %dma_wait3A_110 = tpu.memref_slice %arg6[%add3A_108, %dma_wait3A_109] : memref<16384x1024xf32, #tpu.memory_space<hbm>> -> memref<16x1024xf32, #tpu.memory_space<hbm>>
        %dma_wait3A_111 = arith.constant 0 : i32
        %dma_wait3A_112 = tpu.memref_slice %arg6[%add3A_108, %dma_wait3A_111] : memref<16384x1024xf32, #tpu.memory_space<hbm>> -> memref<16x1024xf32, #tpu.memory_space<hbm>>
        tpu.wait_dma2 semaphore(%arg19 : memref<!tpu.dma_semaphore, #tpu.memory_space<semaphore_mem>>) src(%arg13 : memref<16x1024xf32, #tpu.memory_space<vmem>>) dst(%dma_wait3A_112 : memref<16x1024xf32, #tpu.memory_space<hbm>>)
      } else {
      }
      %parallel_loop3A = arith.constant 0 : i32
      %parallel_loop3A_55 = arith.constant 16384 : i32
      %parallel_loop3A_56 = arith.constant 16 : i32
      scf.for %parallel_loop3A_104 = %parallel_loop3A to %parallel_loop3A_55 step %parallel_loop3A_56  : i32 {
        %parallel_loop3A_105 = arith.constant 1024 : i32
        %parallel_loop3A_106 = arith.divsi %parallel_loop3A_104, %parallel_loop3A_105 : i32
        %parallel_loop3A_107 = arith.constant 0 : i32
        %parallel_loop3A_108 = arith.cmpi sgt, %parallel_loop3A_104, %parallel_loop3A_107 : i32
        %parallel_loop3A_109 = arith.extui %parallel_loop3A_108 : i1 to i32
        %parallel_loop3A_110 = arith.constant 0 : i32
        %parallel_loop3A_111 = arith.cmpi slt, %parallel_loop3A_104, %parallel_loop3A_110 : i32
        %parallel_loop3A_112 = arith.extui %parallel_loop3A_111 : i1 to i32
        %parallel_loop3A_113 = arith.subi %parallel_loop3A_109, %parallel_loop3A_112 : i32
        %parallel_loop3A_114 = arith.constant 0 : i32
        %parallel_loop3A_115 = arith.cmpi sgt, %parallel_loop3A_105, %parallel_loop3A_114 : i32
        %parallel_loop3A_116 = arith.extui %parallel_loop3A_115 : i1 to i32
        %parallel_loop3A_117 = arith.constant 0 : i32
        %parallel_loop3A_118 = arith.cmpi slt, %parallel_loop3A_105, %parallel_loop3A_117 : i32
        %parallel_loop3A_119 = arith.extui %parallel_loop3A_118 : i1 to i32
        %parallel_loop3A_120 = arith.subi %parallel_loop3A_116, %parallel_loop3A_119 : i32
        %parallel_loop3A_121 = arith.cmpi ne, %parallel_loop3A_113, %parallel_loop3A_120 : i32
        %parallel_loop3A_122 = arith.remsi %parallel_loop3A_104, %parallel_loop3A_105 : i32
        %parallel_loop3A_123 = arith.constant 0 : i32
        %parallel_loop3A_124 = arith.cmpi ne, %parallel_loop3A_122, %parallel_loop3A_123 : i32
        %parallel_loop3A_125 = arith.andi %parallel_loop3A_121, %parallel_loop3A_124 : i1
        %parallel_loop3A_126 = arith.constant 1 : i32
        %parallel_loop3A_127 = arith.subi %parallel_loop3A_106, %parallel_loop3A_126 : i32
        %parallel_loop3A_128 = arith.select %parallel_loop3A_125, %parallel_loop3A_127, %parallel_loop3A_106 : i32
        %parallel_loop3A_129 = arith.constant 1024 : i32
        %parallel_loop3A_130 = arith.muli %parallel_loop3A_128, %parallel_loop3A_129 : i32
        %parallel_loop3A_131 = arith.subi %parallel_loop3A_104, %parallel_loop3A_130 : i32
        %parallel_loop3A_132 = arith.index_cast %parallel_loop3A_128 : i32 to index
        %parallel_loop3A_133 = arith.index_cast %parallel_loop3A_131 : i32 to index
        %parallel_loop3A_134 = tpu.vector_load %arg9[%parallel_loop3A_132, %parallel_loop3A_133] {strides = array<i32>} : memref<16x1024xf32, #tpu.memory_space<vmem>>, vector<16xf32>,
        %parallel_loop3A_135 = arith.constant 3.000000e+01 : f32
        %parallel_loop3A_136 = vector.broadcast %parallel_loop3A_135 : f32 to vector<16xf32>
        %parallel_loop3A_137 = arith.mulf %parallel_loop3A_134, %parallel_loop3A_136 : vector<16xf32>
        %parallel_loop3A_138 = arith.fptosi %parallel_loop3A_137 : vector<16xf32> to vector<16xi32>
        %parallel_loop3A_139 = tpu.vector_load_idx %arg7[%parallel_loop3A_138] : memref<32xi32, #tpu.memory_space<vmem>>[vector<16xi32>], vector<16xi32>,
        %parallel_loop3A_140 = tpu.vector_load_idx %arg8[%parallel_loop3A_138] : memref<32xi32, #tpu.memory_space<vmem>>[vector<16xi32>], vector<16xi32>,
        %parallel_loop3A_141 = vector.bitcast %parallel_loop3A_139 : vector<16xi32> to vector<16xf32>
        %parallel_loop3A_142 = arith.constant 16 : i32
        %parallel_loop3A_143 = vector.broadcast %parallel_loop3A_142 : i32 to vector<16xi32>
        %parallel_loop3A_144 = arith.shli %parallel_loop3A_139, %parallel_loop3A_143 : vector<16xi32>
        %parallel_loop3A_145 = vector.bitcast %parallel_loop3A_144 : vector<16xi32> to vector<16xf32>
        %parallel_loop3A_146 = vector.bitcast %parallel_loop3A_140 : vector<16xi32> to vector<16xf32>
        %parallel_loop3A_147 = arith.constant 16 : i32
        %parallel_loop3A_148 = vector.broadcast %parallel_loop3A_147 : i32 to vector<16xi32>
        %parallel_loop3A_149 = arith.shli %parallel_loop3A_140, %parallel_loop3A_148 : vector<16xi32>
        %parallel_loop3A_150 = vector.bitcast %parallel_loop3A_149 : vector<16xi32> to vector<16xf32>
        %parallel_loop3A_151 = arith.index_cast %parallel_loop3A_128 : i32 to index
        %parallel_loop3A_152 = arith.index_cast %parallel_loop3A_131 : i32 to index
        %parallel_loop3A_153 = tpu.vector_load %arg11[%parallel_loop3A_151, %parallel_loop3A_152] {strides = array<i32>} : memref<16x1024xf32, #tpu.memory_space<vmem>>, vector<16xf32>,
        %parallel_loop3A_154 = arith.mulf %parallel_loop3A_137, %parallel_loop3A_145 : vector<16xf32>
        %parallel_loop3A_155 = arith.addf %parallel_loop3A_141, %parallel_loop3A_154 : vector<16xf32>
        %parallel_loop3A_156 = arith.mulf %parallel_loop3A_137, %parallel_loop3A_150 : vector<16xf32>
        %parallel_loop3A_157 = arith.addf %parallel_loop3A_146, %parallel_loop3A_156 : vector<16xf32>
        %parallel_loop3A_158 = arith.mulf %parallel_loop3A_157, %parallel_loop3A_153 : vector<16xf32>
        %parallel_loop3A_159 = arith.addf %parallel_loop3A_155, %parallel_loop3A_158 : vector<16xf32>
        %parallel_loop3A_160 = arith.index_cast %parallel_loop3A_128 : i32 to index
        %parallel_loop3A_161 = arith.index_cast %parallel_loop3A_131 : i32 to index
        %parallel_loop3A_162 = tpu.vector_load %arg13[%parallel_loop3A_160, %parallel_loop3A_161] {strides = array<i32>} : memref<16x1024xf32, #tpu.memory_space<vmem>>, vector<16xf32>,
        tpu.vector_store %arg13[%parallel_loop3A_160, %parallel_loop3A_161], %parallel_loop3A_159 {strides = array<i32>} : memref<16x1024xf32, #tpu.memory_space<vmem>>, vector<16xf32>,
      } {sc.loop_unroll_factor = 16 : i64, sc.parallel_access}
      %mul3A_57 = arith.constant 16 : i32
      %mul3A_58 = arith.muli %add3A_34, %mul3A_57 : i32
      %add3A_59 = arith.addi %mul3A_2, %mul3A_58 : i32
      %dma_start3A_60 = arith.constant 0 : i32
      %dma_start3A_61 = tpu.memref_slice %arg6[%add3A_59, %dma_start3A_60] : memref<16384x1024xf32, #tpu.memory_space<hbm>> -> memref<16x1024xf32, #tpu.memory_space<hbm>>
      %dma_start3A_62 = arith.constant 0 : i32
      %dma_start3A_63 = tpu.memref_slice %arg6[%add3A_59, %dma_start3A_62] : memref<16384x1024xf32, #tpu.memory_space<hbm>> -> memref<16x1024xf32, #tpu.memory_space<hbm>>
      tpu.enqueue_dma source(%arg13 : memref<16x1024xf32, #tpu.memory_space<vmem>>) target(%dma_start3A_63 : memref<16x1024xf32, #tpu.memory_space<hbm>>) target_semaphore(%arg19 : memref<!tpu.dma_semaphore, #tpu.memory_space<semaphore_mem>>)
      %mul3A_64 = arith.constant 2 : i32
      %mul3A_65 = arith.muli %mul3A_64, %scan3A_29 : i32
      %add3A_66 = arith.constant 1 : i32
      %add3A_67 = arith.addi %mul3A_65, %add3A_66 : i32
      %add3A_68 = arith.constant 2 : i32
      %add3A_69 = arith.addi %add3A_67, %add3A_68 : i32
      %sub3A_70 = arith.constant 1 : i32
      %sub3A_71 = arith.subi %add3A_69, %sub3A_70 : i32
      %lt3A_72 = arith.constant 32 : i32
      %lt3A_73 = arith.cmpi slt, %sub3A_71, %lt3A_72 : i32
      %convert_element_type3A_74 = arith.extui %lt3A_73 : i1 to i32
      %cond3A_75 = arith.constant 0 : i32
      %cond3A_76 = arith.cmpi ne, %convert_element_type3A_74, %cond3A_75 : i32
      scf.if %cond3A_76 {
        %add3A_104 = arith.constant 2 : i32
        %add3A_105 = arith.addi %add3A_67, %add3A_104 : i32
        %sub3A_106 = arith.constant 1 : i32
        %sub3A_107 = arith.subi %add3A_105, %sub3A_106 : i32
        %mul3A_108 = arith.constant 16 : i32
        %mul3A_109 = arith.muli %sub3A_107, %mul3A_108 : i32
        %add3A_110 = arith.addi %mul3A_2, %mul3A_109 : i32
        %dma_start3A_111 = arith.constant 0 : i32
        %dma_start3A_112 = tpu.memref_slice %arg2[%add3A_110, %dma_start3A_111] : memref<16384x1024xf32, #tpu.memory_space<hbm>> -> memref<16x1024xf32, #tpu.memory_space<hbm>>
        %dma_start3A_113 = arith.constant 0 : i32
        %dma_start3A_114 = tpu.memref_slice %arg2[%add3A_110, %dma_start3A_113] : memref<16384x1024xf32, #tpu.memory_space<hbm>> -> memref<16x1024xf32, #tpu.memory_space<hbm>>
        tpu.enqueue_dma source(%dma_start3A_114 : memref<16x1024xf32, #tpu.memory_space<hbm>>) target(%arg9 : memref<16x1024xf32, #tpu.memory_space<vmem>>) target_semaphore(%arg15 : memref<!tpu.dma_semaphore, #tpu.memory_space<semaphore_mem>>)
        %dma_start3A_115 = arith.constant 0 : i32
        %dma_start3A_116 = tpu.memref_slice %arg3[%add3A_110, %dma_start3A_115] : memref<16384x1024xf32, #tpu.memory_space<hbm>> -> memref<16x1024xf32, #tpu.memory_space<hbm>>
        %dma_start3A_117 = arith.constant 0 : i32
        %dma_start3A_118 = tpu.memref_slice %arg3[%add3A_110, %dma_start3A_117] : memref<16384x1024xf32, #tpu.memory_space<hbm>> -> memref<16x1024xf32, #tpu.memory_space<hbm>>
        tpu.enqueue_dma source(%dma_start3A_118 : memref<16x1024xf32, #tpu.memory_space<hbm>>) target(%arg11 : memref<16x1024xf32, #tpu.memory_space<vmem>>) target_semaphore(%arg17 : memref<!tpu.dma_semaphore, #tpu.memory_space<semaphore_mem>>)
      } else {
      }
      %mul3A_77 = arith.constant 16 : i32
      %mul3A_78 = arith.muli %add3A_67, %mul3A_77 : i32
      %add3A_79 = arith.addi %mul3A_2, %mul3A_78 : i32
      %dma_wait3A_80 = arith.constant 0 : i32
      %dma_wait3A_81 = tpu.memref_slice %arg2[%add3A_79, %dma_wait3A_80] : memref<16384x1024xf32, #tpu.memory_space<hbm>> -> memref<16x1024xf32, #tpu.memory_space<hbm>>
      %dma_wait3A_82 = arith.constant 0 : i32
      %dma_wait3A_83 = tpu.memref_slice %arg2[%add3A_79, %dma_wait3A_82] : memref<16384x1024xf32, #tpu.memory_space<hbm>> -> memref<16x1024xf32, #tpu.memory_space<hbm>>
      tpu.wait_dma2 semaphore(%arg16 : memref<!tpu.dma_semaphore, #tpu.memory_space<semaphore_mem>>) src(%dma_wait3A_83 : memref<16x1024xf32, #tpu.memory_space<hbm>>) dst(%arg10 : memref<16x1024xf32, #tpu.memory_space<vmem>>)
      %dma_wait3A_84 = arith.constant 0 : i32
      %dma_wait3A_85 = tpu.memref_slice %arg3[%add3A_79, %dma_wait3A_84] : memref<16384x1024xf32, #tpu.memory_space<hbm>> -> memref<16x1024xf32, #tpu.memory_space<hbm>>
      %dma_wait3A_86 = arith.constant 0 : i32
      %dma_wait3A_87 = tpu.memref_slice %arg3[%add3A_79, %dma_wait3A_86] : memref<16384x1024xf32, #tpu.memory_space<hbm>> -> memref<16x1024xf32, #tpu.memory_space<hbm>>
      tpu.wait_dma2 semaphore(%arg18 : memref<!tpu.dma_semaphore, #tpu.memory_space<semaphore_mem>>) src(%dma_wait3A_87 : memref<16x1024xf32, #tpu.memory_space<hbm>>) dst(%arg12 : memref<16x1024xf32, #tpu.memory_space<vmem>>)
      %ge3A_88 = arith.constant 2 : i32
      %ge3A_89 = arith.cmpi sge, %add3A_67, %ge3A_88 : i32
      %convert_element_type3A_90 = arith.extui %ge3A_89 : i1 to i32
      %cond3A_91 = arith.constant 0 : i32
      %cond3A_92 = arith.cmpi ne, %convert_element_type3A_90, %cond3A_91 : i32
      scf.if %cond3A_92 {
        %sub3A_104 = arith.constant 2 : i32
        %sub3A_105 = arith.subi %add3A_67, %sub3A_104 : i32
        %mul3A_106 = arith.constant 16 : i32
        %mul3A_107 = arith.muli %sub3A_105, %mul3A_106 : i32
        %add3A_108 = arith.addi %mul3A_2, %mul3A_107 : i32
        %dma_wait3A_109 = arith.constant 0 : i32
        %dma_wait3A_110 = tpu.memref_slice %arg6[%add3A_108, %dma_wait3A_109] : memref<16384x1024xf32, #tpu.memory_space<hbm>> -> memref<16x1024xf32, #tpu.memory_space<hbm>>
        %dma_wait3A_111 = arith.constant 0 : i32
        %dma_wait3A_112 = tpu.memref_slice %arg6[%add3A_108, %dma_wait3A_111] : memref<16384x1024xf32, #tpu.memory_space<hbm>> -> memref<16x1024xf32, #tpu.memory_space<hbm>>
        tpu.wait_dma2 semaphore(%arg20 : memref<!tpu.dma_semaphore, #tpu.memory_space<semaphore_mem>>) src(%arg14 : memref<16x1024xf32, #tpu.memory_space<vmem>>) dst(%dma_wait3A_112 : memref<16x1024xf32, #tpu.memory_space<hbm>>)
      } else {
      }
      %parallel_loop3A_93 = arith.constant 0 : i32
      %parallel_loop3A_94 = arith.constant 16384 : i32
      %parallel_loop3A_95 = arith.constant 16 : i32
      scf.for %parallel_loop3A_104 = %parallel_loop3A_93 to %parallel_loop3A_94 step %parallel_loop3A_95  : i32 {
        %parallel_loop3A_105 = arith.constant 1024 : i32
        %parallel_loop3A_106 = arith.divsi %parallel_loop3A_104, %parallel_loop3A_105 : i32
        %parallel_loop3A_107 = arith.constant 0 : i32
        %parallel_loop3A_108 = arith.cmpi sgt, %parallel_loop3A_104, %parallel_loop3A_107 : i32
        %parallel_loop3A_109 = arith.extui %parallel_loop3A_108 : i1 to i32
        %parallel_loop3A_110 = arith.constant 0 : i32
        %parallel_loop3A_111 = arith.cmpi slt, %parallel_loop3A_104, %parallel_loop3A_110 : i32
        %parallel_loop3A_112 = arith.extui %parallel_loop3A_111 : i1 to i32
        %parallel_loop3A_113 = arith.subi %parallel_loop3A_109, %parallel_loop3A_112 : i32
        %parallel_loop3A_114 = arith.constant 0 : i32
        %parallel_loop3A_115 = arith.cmpi sgt, %parallel_loop3A_105, %parallel_loop3A_114 : i32
        %parallel_loop3A_116 = arith.extui %parallel_loop3A_115 : i1 to i32
        %parallel_loop3A_117 = arith.constant 0 : i32
        %parallel_loop3A_118 = arith.cmpi slt, %parallel_loop3A_105, %parallel_loop3A_117 : i32
        %parallel_loop3A_119 = arith.extui %parallel_loop3A_118 : i1 to i32
        %parallel_loop3A_120 = arith.subi %parallel_loop3A_116, %parallel_loop3A_119 : i32
        %parallel_loop3A_121 = arith.cmpi ne, %parallel_loop3A_113, %parallel_loop3A_120 : i32
        %parallel_loop3A_122 = arith.remsi %parallel_loop3A_104, %parallel_loop3A_105 : i32
        %parallel_loop3A_123 = arith.constant 0 : i32
        %parallel_loop3A_124 = arith.cmpi ne, %parallel_loop3A_122, %parallel_loop3A_123 : i32
        %parallel_loop3A_125 = arith.andi %parallel_loop3A_121, %parallel_loop3A_124 : i1
        %parallel_loop3A_126 = arith.constant 1 : i32
        %parallel_loop3A_127 = arith.subi %parallel_loop3A_106, %parallel_loop3A_126 : i32
        %parallel_loop3A_128 = arith.select %parallel_loop3A_125, %parallel_loop3A_127, %parallel_loop3A_106 : i32
        %parallel_loop3A_129 = arith.constant 1024 : i32
        %parallel_loop3A_130 = arith.muli %parallel_loop3A_128, %parallel_loop3A_129 : i32
        %parallel_loop3A_131 = arith.subi %parallel_loop3A_104, %parallel_loop3A_130 : i32
        %parallel_loop3A_132 = arith.index_cast %parallel_loop3A_128 : i32 to index
        %parallel_loop3A_133 = arith.index_cast %parallel_loop3A_131 : i32 to index
        %parallel_loop3A_134 = tpu.vector_load %arg10[%parallel_loop3A_132, %parallel_loop3A_133] {strides = array<i32>} : memref<16x1024xf32, #tpu.memory_space<vmem>>, vector<16xf32>,
        %parallel_loop3A_135 = arith.constant 3.000000e+01 : f32
        %parallel_loop3A_136 = vector.broadcast %parallel_loop3A_135 : f32 to vector<16xf32>
        %parallel_loop3A_137 = arith.mulf %parallel_loop3A_134, %parallel_loop3A_136 : vector<16xf32>
        %parallel_loop3A_138 = arith.fptosi %parallel_loop3A_137 : vector<16xf32> to vector<16xi32>
        %parallel_loop3A_139 = tpu.vector_load_idx %arg7[%parallel_loop3A_138] : memref<32xi32, #tpu.memory_space<vmem>>[vector<16xi32>], vector<16xi32>,
        %parallel_loop3A_140 = tpu.vector_load_idx %arg8[%parallel_loop3A_138] : memref<32xi32, #tpu.memory_space<vmem>>[vector<16xi32>], vector<16xi32>,
        %parallel_loop3A_141 = vector.bitcast %parallel_loop3A_139 : vector<16xi32> to vector<16xf32>
        %parallel_loop3A_142 = arith.constant 16 : i32
        %parallel_loop3A_143 = vector.broadcast %parallel_loop3A_142 : i32 to vector<16xi32>
        %parallel_loop3A_144 = arith.shli %parallel_loop3A_139, %parallel_loop3A_143 : vector<16xi32>
        %parallel_loop3A_145 = vector.bitcast %parallel_loop3A_144 : vector<16xi32> to vector<16xf32>
        %parallel_loop3A_146 = vector.bitcast %parallel_loop3A_140 : vector<16xi32> to vector<16xf32>
        %parallel_loop3A_147 = arith.constant 16 : i32
        %parallel_loop3A_148 = vector.broadcast %parallel_loop3A_147 : i32 to vector<16xi32>
        %parallel_loop3A_149 = arith.shli %parallel_loop3A_140, %parallel_loop3A_148 : vector<16xi32>
        %parallel_loop3A_150 = vector.bitcast %parallel_loop3A_149 : vector<16xi32> to vector<16xf32>
        %parallel_loop3A_151 = arith.index_cast %parallel_loop3A_128 : i32 to index
        %parallel_loop3A_152 = arith.index_cast %parallel_loop3A_131 : i32 to index
        %parallel_loop3A_153 = tpu.vector_load %arg12[%parallel_loop3A_151, %parallel_loop3A_152] {strides = array<i32>} : memref<16x1024xf32, #tpu.memory_space<vmem>>, vector<16xf32>,
        %parallel_loop3A_154 = arith.mulf %parallel_loop3A_137, %parallel_loop3A_145 : vector<16xf32>
        %parallel_loop3A_155 = arith.addf %parallel_loop3A_141, %parallel_loop3A_154 : vector<16xf32>
        %parallel_loop3A_156 = arith.mulf %parallel_loop3A_137, %parallel_loop3A_150 : vector<16xf32>
        %parallel_loop3A_157 = arith.addf %parallel_loop3A_146, %parallel_loop3A_156 : vector<16xf32>
        %parallel_loop3A_158 = arith.mulf %parallel_loop3A_157, %parallel_loop3A_153 : vector<16xf32>
        %parallel_loop3A_159 = arith.addf %parallel_loop3A_155, %parallel_loop3A_158 : vector<16xf32>
        %parallel_loop3A_160 = arith.index_cast %parallel_loop3A_128 : i32 to index
        %parallel_loop3A_161 = arith.index_cast %parallel_loop3A_131 : i32 to index
        %parallel_loop3A_162 = tpu.vector_load %arg14[%parallel_loop3A_160, %parallel_loop3A_161] {strides = array<i32>} : memref<16x1024xf32, #tpu.memory_space<vmem>>, vector<16xf32>,
        tpu.vector_store %arg14[%parallel_loop3A_160, %parallel_loop3A_161], %parallel_loop3A_159 {strides = array<i32>} : memref<16x1024xf32, #tpu.memory_space<vmem>>, vector<16xf32>,
      } {sc.loop_unroll_factor = 16 : i64, sc.parallel_access}
      %mul3A_96 = arith.constant 16 : i32
      %mul3A_97 = arith.muli %add3A_67, %mul3A_96 : i32
      %add3A_98 = arith.addi %mul3A_2, %mul3A_97 : i32
      %dma_start3A_99 = arith.constant 0 : i32
      %dma_start3A_100 = tpu.memref_slice %arg6[%add3A_98, %dma_start3A_99] : memref<16384x1024xf32, #tpu.memory_space<hbm>> -> memref<16x1024xf32, #tpu.memory_space<hbm>>
      %dma_start3A_101 = arith.constant 0 : i32
      %dma_start3A_102 = tpu.memref_slice %arg6[%add3A_98, %dma_start3A_101] : memref<16384x1024xf32, #tpu.memory_space<hbm>> -> memref<16x1024xf32, #tpu.memory_space<hbm>>
      tpu.enqueue_dma source(%arg14 : memref<16x1024xf32, #tpu.memory_space<vmem>>) target(%dma_start3A_102 : memref<16x1024xf32, #tpu.memory_space<hbm>>) target_semaphore(%arg20 : memref<!tpu.dma_semaphore, #tpu.memory_space<semaphore_mem>>)
      %scan3A_103 = arith.constant 0 : i32
      scf.yield %scan3A_103 : i32
    }
    %scan3A_17 = arith.constant 16 : i32
    %add3A_18 = arith.constant 480 : i32
    %add3A_19 = arith.addi %mul3A_2, %add3A_18 : i32
    %dma_wait3A = arith.constant 0 : i32
    %dma_wait3A_20 = tpu.memref_slice %arg6[%add3A_19, %dma_wait3A] : memref<16384x1024xf32, #tpu.memory_space<hbm>> -> memref<16x1024xf32, #tpu.memory_space<hbm>>
    %dma_wait3A_21 = arith.constant 0 : i32
    %dma_wait3A_22 = tpu.memref_slice %arg6[%add3A_19, %dma_wait3A_21] : memref<16384x1024xf32, #tpu.memory_space<hbm>> -> memref<16x1024xf32, #tpu.memory_space<hbm>>
    tpu.wait_dma2 semaphore(%arg19 : memref<!tpu.dma_semaphore, #tpu.memory_space<semaphore_mem>>) src(%arg13 : memref<16x1024xf32, #tpu.memory_space<vmem>>) dst(%dma_wait3A_22 : memref<16x1024xf32, #tpu.memory_space<hbm>>)
    %add3A_23 = arith.constant 496 : i32
    %add3A_24 = arith.addi %mul3A_2, %add3A_23 : i32
    %dma_wait3A_25 = arith.constant 0 : i32
    %dma_wait3A_26 = tpu.memref_slice %arg6[%add3A_24, %dma_wait3A_25] : memref<16384x1024xf32, #tpu.memory_space<hbm>> -> memref<16x1024xf32, #tpu.memory_space<hbm>>
    %dma_wait3A_27 = arith.constant 0 : i32
    %dma_wait3A_28 = tpu.memref_slice %arg6[%add3A_24, %dma_wait3A_27] : memref<16384x1024xf32, #tpu.memory_space<hbm>> -> memref<16x1024xf32, #tpu.memory_space<hbm>>
    tpu.wait_dma2 semaphore(%arg20 : memref<!tpu.dma_semaphore, #tpu.memory_space<semaphore_mem>>) src(%arg14 : memref<16x1024xf32, #tpu.memory_space<vmem>>) dst(%dma_wait3A_28 : memref<16x1024xf32, #tpu.memory_space<hbm>>)
    return
  }
}

</mosaic_0001>

<sc_bundles>
// kernel: kernel.3.cloned.1.call-start
scs
__scs_entry_jumppad:
0x0: {  	(pc) =	sbr.rel $0x88, $3  }
0x1: {  	(tag) =	ssettag $0x0;
	lr =	simm.s32 $0x1  }
0x2: {  	[smem:$0x3F9D] =	sst lr;
	_ =	strace $0xD0000000  }
0x3: {  	_ = 	snop  }
0x4: {  	_ = 	snop  }
0x5: {  	_ = 	snop  }
0x6: {  	_ = 	snop  }
0x7: {  	_ = 	snop  }
__scs_overlays_trampoline_lowered:
0x8: {  	[smem:$0x3FAC] =	sst s0  }
0x9: {  	[smem:$0x3FAD] =	sst s1  }
0xa: {  	[smem:$0x3FAE] =	sst s2  }
0xb: {  	[smem:$0x3FAF] =	sst s3  }
0xc: {  	[smem:$0x3FB0] =	sst s4  }
0xd: {  	[smem:$0x3FB1] =	sst s5  }
0xe: {  	[smem:$0x3FB2] =	sst s6  }
0xf: {  	[smem:$0x3FB3] =	sst s7  }
0x10: {  	[smem:$0x3FB4] =	sst s8  }
0x11: {  	[smem:$0x3FB5] =	sst s9;
	s0 =	simm.s32 @!p0 $0x0  }
0x12: {  	s1 =	sld [smem:$0x3F9B];
	s0 =	simm.s32 @p0 $0x1  }
0x13: {  	[smem:$0x3FB6] =	sst s0;
	s0 =	simm.s32 @!p1 $0x0  }
0x14: {  	s2 =	sld [smem:$0x3F9A];
	s0 =	simm.s32 @p1 $0x1  }
0x15: {  	[smem:$0x3FB7] =	sst s0;
	s0 =	simm.s32 @!p2 $0x0  }
0x16: {  	s3 =	sld [smem:$0x3FDB];
	s0 =	simm.s32 @p2 $0x1  }
0x17: {  	s4 =	simm.s32 $0x1BF5;
	[smem:$0x3FB9] =	sst s0  }
0x18: {  	s0 =	sld [smem:$0x3F9C];
	_ =	swait.ge [sflag:s4], $0x0  }
0x19: {  	s7 =	sld [smem:$0x3F9D]  }
0x1a: {  	s8 =	sadd.s32 $0xFFFFE003, lr  }
0x1b: {  	s9 =	sadd.s32 $0xFFFFFEF7, lr;
	s5 =	simm.s32 $0xFFFFFFFF;
	p2 =	slt.u32 s8, $0xFFFFF086  }
0x1c: {  	p1 =	slt.u32 s9, $0xF7A;
	s5 =	simm.s32 @!p2 $0x0  }
0x1d: {  	s5 =	simm.s32 @p1 $0x1;
	p0 =	seq.s32 s7, s2  }
0x1e: {  	s7 =	smul.u32 @!p0 $0xF7A, s2;
	p2 =	seq.s32 @!p0 s5, $0x0  }
0x1f: {  	s9 =	smul.u32 $0xF7A, s1;
	s8 =	simm.s32 @!p0 $0x1BF5;
	p2 =	por !p2, p0  }
0x20: {  	[sflag:s8] =	ssyncset.s32 @!p0 $0xFFFFF086;
	s6 =	sadd.s32 @!p0 s3, s7;
	s7 =	simm.s32 @!p0 $0x108  }
0x21: {  	s3 =	sadd.s32 s3, s9;
	s6 =	sadd.s32 @!p0 $0x88, s6;
	s7 =	simm.s32 @p2 $0x1082  }
0x22: {  	[simem:s7], [sflag:s8] =	dma.local @!p0 [hbm:s6], $0xF7A  }
0x23: {  	s9 =	sor.u32 $0xD0000000, s2;
	s6 =	simm.s32 $0x108;
	_ =	swait.ge @!p0 [sflag:s8], $0x0  }
0x24: {  	s3 =	sadd.s32 $0x88, s3;
	s6 =	simm.s32 @!p1 $0x1082;
	[sflag:s4] =	ssyncset.s32 $0xFFFFF086  }
0x25: {  	[simem:s6], [sflag:s4] =	dma.local [hbm:s3], $0xF7A  }
0x26: {  	[smem:$0x3F9D] =	sst s1;
	(tag) =	ssettag s2;
	_ =	strace s9  }
0x27: {  	s1 =	sld [smem:$0x3FAD]  }
0x28: {  	s2 =	sld [smem:$0x3FAE]  }
0x29: {  	s4 =	sld [smem:$0x3FB0]  }
0x2a: {  	p0 =	seq.s32 s5, $0x0;
	s5 =	sld [smem:$0x3FB1]  }
0x2b: {  	s6 =	sld [smem:$0x3FB2]  }
0x2c: {  	s7 =	sld [smem:$0x3FB3]  }
0x2d: {  	s3 =	simm.s32 $0x108;
	s8 =	sld [smem:$0x3FB4]  }
0x2e: {  	s3 =	simm.s32 @!p0 $0x1082;
	s9 =	sld [smem:$0x3FB5]  }
0x2f: {  	lr =	sadd.s32 s0, s3;
	s0 =	sld [smem:$0x3FAC]  }
0x30: {  	s3 =	sld [smem:$0x3FAF]  }
0x31: {  	[smem:$0x3FB8] =	sst s10  }
0x32: {  	s10 =	sld [smem:$0x3FB6];
	_ =	sdelay $0x3  }
0x33: {  	p0 =	seq.s32 s10, $0x1;
	s10 =	sld [smem:$0x3FB8];
	_ =	sdelay $0x3  }
0x34: {  	[smem:$0x3FB8] =	sst s10  }
0x35: {  	s10 =	sld [smem:$0x3FB7];
	_ =	sdelay $0x3  }
0x36: {  	p1 =	seq.s32 s10, $0x1;
	s10 =	sld [smem:$0x3FB8];
	_ =	sdelay $0x3  }
0x37: {  	[smem:$0x3FB8] =	sst s10  }
0x38: {  	s10 =	sld [smem:$0x3FB9]  }
0x39: {  	_ = 	snop;
	(pc) =	sbr.ind lr, $3  }
0x3a: {  	_ = 	snop  }
0x3b: {  	_ = 	snop  }
0x3c: {  	p2 =	seq.s32 s10, $0x1;
	s10 =	sld [smem:$0x3FB8]  }
0x3d: {  	_ =	shalt  }
0x3e: {  	_ =	shalt  }
0x3f: {  	_ =	shalt  }
0x40: {  	_ =	shalt  }
0x41: {  	_ =	shalt  }
0x42: {  	_ =	shalt  }
0x43: {  	_ =	shalt  }
0x44: {  	_ =	shalt  }
0x45: {  	_ =	shalt  }
0x46: {  	_ =	shalt  }
0x47: {  	_ =	shalt  }
0x48: {  	_ =	shalt  }
0x49: {  	_ =	shalt  }
0x4a: {  	_ =	shalt  }
0x4b: {  	_ =	shalt  }
0x4c: {  	_ =	shalt  }
0x4d: {  	_ =	shalt  }
0x4e: {  	_ =	shalt  }
0x4f: {  	_ =	shalt  }
0x50: {  	_ =	shalt  }
0x51: {  	_ =	shalt  }
0x52: {  	_ =	shalt  }
0x53: {  	_ =	shalt  }
0x54: {  	_ =	shalt  }
0x55: {  	_ =	shalt  }
0x56: {  	_ =	shalt  }
0x57: {  	_ =	shalt  }
0x58: {  	_ =	shalt  }
0x59: {  	_ =	shalt  }
0x5a: {  	_ =	shalt  }
0x5b: {  	_ =	shalt  }
0x5c: {  	_ =	shalt  }
0x5d: {  	_ =	shalt  }
0x5e: {  	_ =	shalt  }
0x5f: {  	_ =	shalt  }
0x60: {  	_ =	shalt  }
0x61: {  	_ =	shalt  }
0x62: {  	_ =	shalt  }
0x63: {  	_ =	shalt  }
0x64: {  	_ =	shalt  }
0x65: {  	_ =	shalt  }
0x66: {  	_ =	shalt  }
0x67: {  	_ =	shalt  }
0x68: {  	_ =	shalt  }
0x69: {  	_ =	shalt  }
0x6a: {  	_ =	shalt  }
0x6b: {  	_ =	shalt  }
0x6c: {  	_ =	shalt  }
0x6d: {  	_ =	shalt  }
0x6e: {  	_ =	shalt  }
0x6f: {  	_ =	shalt  }
0x70: {  	_ =	shalt  }
0x71: {  	_ =	shalt  }
0x72: {  	_ =	shalt  }
0x73: {  	_ =	shalt  }
0x74: {  	_ =	shalt  }
0x75: {  	_ =	shalt  }
0x76: {  	_ =	shalt  }
0x77: {  	_ =	shalt  }
0x78: {  	_ =	shalt  }
0x79: {  	_ =	shalt  }
0x7a: {  	_ =	shalt  }
0x7b: {  	_ =	shalt  }
0x7c: {  	_ =	shalt  }
0x7d: {  	_ =	shalt  }
0x7e: {  	_ =	shalt  }
0x7f: {  	_ =	shalt  }
0x80: {  	_ =	shalt  }
0x81: {  	_ =	shalt  }
0x82: {  	_ =	shalt  }
0x83: {  	_ =	shalt  }
0x84: {  	_ =	shalt  }
0x85: {  	_ =	shalt  }
0x86: {  	_ =	shalt  }
0x87: {  	_ =	shalt  }
.Lfunc_end0:
.L_simem_size_0:
called_computation_lowered:
.L_overlay_start_0:
0x88: {  	s2 =	sld [smem:$0x3FD9]  }
0x89: {  	s3 =	sld [smem:$0x3FFE];
	_ =	sdelay $0x1  }
0x8a: {  	s1 =	srdreg.scid  }
0x8b: {  	s0 =	sand.u32 $0x1, s1  }
0x8c: {  	s17 =	sshll.u32 s0, $0xA;
	s2 =	sadd.s32 s3, s2  }
0x8d: {  	s2 =	sadd.s32 s2, s17  }
0x8e: {  	[smem:$0x3FC4] =	sst s2  }
0x8f: {  	_ = 	snop  }
0x90: {  	s2 =	sld [smem:$0x3FC9]  }
0x91: {  	s18 =	sld [smem:$0x3FC6]  }
0x92: {  	s4 =	sld [smem:$0x3FD0];
	(tm) =	ssettm $0x1  }
0x93: {  	s5 =	sld [smem:$0x3FFB];
	_ =	sdelay $0x3  }
0x94: {  	_ =	strace s5  }
0x95: {  	s5 =	sld [smem:$0x3FFC];
	_ =	sdelay $0x3  }
0x96: {  	_ =	strace s5  }
0x97: {  	s5 =	sld [smem:$0x3FFD];
	_ =	sdelay $0x3  }
0x98: {  	_ =	strace s5  }
0x99: {  	_ =	strace $0x8FFFFFFF  }
0x9a: {  	s19 =	sld [smem:$0x3FDB];
	_ =	sdelay $0x1  }
0x9b: {  	s6 =	simm.s32 $_scs_section_size  }
0x9c: {  	s7 =	simm.s32 $_size__tile_overlayer_lowered;
	s8 =	simm.s32 $_tile_overlayer_lowered  }
0x9d: {  	s22 =	simm.s32 $0x1BFF;
	s21 =	sshll.u32 s8, $0x1;
	s5 =	sadd.s32 s6, s19  }
0x9e: {  	s9 =	simm.s32 $0x0;
	s20 =	sshll.u32 s7, $0x1;
	s7 =	sadd.s32 s21, s5  }
0x9f: {  	[timem:s9], [sflag:s22] =	dma.local [hbm:s7], s20  }
0xa0: {  	_ =	swait.ge [sflag:s22], s20  }
0xa1: {  	s6 =	ssub.s32 $0x0, s20;
	[sflag:s22] =	ssyncset.done $0x0  }
0xa2: {  	[sflag:s22] =	ssyncadd.s32 s6;
	_ =	sdelay $0x1  }
0xa3: {  	s23 =	simm.s32 $0x1B8B  }
0xa4: {  	_ =	swait.ge [sflag:s23], $0x1  }
0xa5: {  	[sflag:s23] =	ssyncset.done $0x0  }
0xa6: {  	s25 =	simm.s32 $0x1B8E;
	s24 =	sld [smem:$0x3FFE];
	[sflag:s23] =	ssyncadd.s32 $0xFFFFFFFF  }
0xa7: {  	s26 =	simm.s32 $execute0_lowered;
	[smem:$0x3FD2] =	sst s25  }
0xa8: {  	s7 =	sshll.u32 s26, $0x1;
	_ =	strace $0x80000046;
	[dreg:$0x1] =	wrdreg $0xFFFFFFFF  }
0xa9: {  	s28 =	simm.s32 $_size_execute0_lowered;
	s5 =	sadd.s32 s5, s7;
	[dreg:$0x0] =	wrdreg $0x0  }
0xaa: {  	s7 =	sshll.u32 s28, $0x1;
	[dreg:$0x2] =	wrdreg s5  }
0xab: {  	[dreg:$0x3] =	wrdreg s7  }
0xac: {  	[dreg:$0x4] =	wrdreg $0xC0  }
0xad: {  	_ =	task [dreg:s9], $0x5FFFF  }
0xae: {  	[dreg:$0x1] =	wrdreg $0xFFFFFFFF  }
0xaf: {  	[dreg:$0x0] =	wrdreg $0x60  }
0xb0: {  	[dreg:$0x2] =	wrdreg s2  }
0xb1: {  	[dreg:$0x3] =	wrdreg s18  }
0xb2: {  	[dreg:$0x4] =	wrdreg s24  }
0xb3: {  	[dreg:$0x5] =	wrdreg s4  }
0xb4: {  	[dreg:$0x6] =	wrdreg $0x9  }
0xb5: {  	_ =	task.clear_ibuf [dreg:s9], $0x7FFFF;
	_ =	strace $0x90000046  }
0xb6: {  	s29 =	simm.s32 $0x9;
	_ =	strace $0x80000048  }
0xb7: {  	_ =	swait.ge [sflag:s29], $0x1  }
0xb8: {  	[sflag:s29] =	ssyncadd.s32 $0xFFFFFFFF  }
0xb9: {  	_ =	strace $0x90000048  }
0xba: {  	_ =	sfence  }
0xbb: {  	s30 =	sld [smem:$0x0];
	_ =	sdelay $0x2  }
0xbc: {  	s31 =	sshll.u32 s1, $0xD;
	s1 =	sshrl.u32 s1, $0x2  }
0xbd: {  	s3 =	sand.u32 $0x4000, s31;
	s1 =	sadd.s32 s1, s30  }
0xbe: {  	s0 =	sor.u32 s3, s0;
	s1 =	sshll.u32 s1, $0x11  }
0xbf: {  	s0 =	sor.u32 s1, s0  }
0xc0: {  	s0 =	sadd.s32 $0x8F2B, s0  }
0xc1: {  	[sflag:s0] =	ssyncadd.remote.s32 $0x1  }
0xc2: {  	_ =	sfence.sel $0xFFFF  }
0xc3: {  	[dreg:$0x0] =	wrdreg $0xFFFFFFFF;
	(pc) =	sbr.abs _section_cstart, $3  }
0xc4: {  	[dreg:$0x1] =	wrdreg $0xFFFFFFFF  }
0xc5: {  	_ =	task.clear_ibuf [dreg:s9], $0x2FFFF;
	_ =	strace $0x9FFFFFFF  }
0xc6: {  	(tm) =	ssettm $0x7FFFFFFF  }
0xc7: {  	_ =	shalt  }
tec
execute0_lowered:
.L_overlay_start_1:
0x0: {  	(tag) =	ssettag $0x1  }
0x1: {  	s1 =	rddreg [dreg:$0x0]  }
0x2: {  	s2 =	rddreg [dreg:$0x1]  }
0x3: {  	s8 =	rddreg [dreg:$0x2]  }
0x4: {  	s4 =	rddreg [dreg:$0x3];
	s5 =	simm.s32 $0x0;
	s0 =	srdreg.scid  }
0x5: {  	s7 =	stileid.u32;
	s14 =	simm.s32 $0x7;
	s15 =	simm.s32 $0x80  }
0x6: {  	s18 =	simm.s32 $0x4100;
	s19 =	simm.s32 $0xC100;
	s20 =	simm.s32 $0x1  }
0x7: {  	s21 =	simm.s32 $0x3;
	s22 =	simm.s32 $0x10100;
	s23 =	simm.s32 $0x2  }
0x8: {  	s24 =	simm.s32 $0x4;
	s25 =	simm.s32 $0x14100;
	s26 =	simm.s32 $0x5  }
0x9: {  	s28 =	simm.s32 $0x6;
	s29 =	simm.s32 $0x0;
	[smem:$0x7FF] =	sst s5  }
0xa: {  	s0 =	sand.u32 $0x1, s0;
	s7 =	sshll.u32 s7, $0x11;
	s8 =	sadd.s32 $0x200, s8  }
0xb: {  	_ =	strace $0x80000047;
	s3 =	ssub.s32 $0x2, s0;
	s0 =	sshll.u32 s0, $0x10  }
0xc: {  	[dreg:$0x5] =	wrdreg s8;
	s6 =	sshrl.u32 s3, $0x1;
	s0 =	sor.u32 s0, s7  }
0xd: {  	s3 =	ssub.s32 s3, s6;
	s30 =	sadd.s32 s1, s0;
	s31 =	sadd.s32 s2, s0  }
0xe: {  	s10 =	sor.u32 $0x800, s0;
	s11 =	sadd.s32 s4, s0;
	[dreg:$0x6] =	wrdreg s30  }
0xf: {  	s12 =	sor.u32 $0x1000, s0;
	[dreg:$0x7] =	wrdreg s31;
	s13 =	smax.u32 s3, $0x1  }
.LBB2_1:
0x10: {  	s0 =	rddreg [dreg:$0x5]  }
0x11: {  	[tilespmem:s5], [sflag:$0x7] =	stream.linear.gather [hbm4b:s0+s5], $0x80, $0x38;
	[tilespmem:$0x18100] =	vst v63  }
0x12: {  	_ =	swait.ge [sflag:s14], $0x80  }
0x13: {  	[sflag:s14] =	ssyncset.done $0x0  }
0x14: {  	[sflag:s14] =	ssyncadd.s32 $0xFFFFFF80  }
0x15: {  	s9 =	rddreg [dreg:$0x2]  }
0x16: {  	[tilespmem:s15], [sflag:$0x7] =	stream.linear.gather [hbm4b:s9+s5], $0x80, $0x38;
	[tilespmem:$0x18100] =	vst v63  }
0x17: {  	_ =	swait.ge [sflag:s14], $0x80  }
0x18: {  	[sflag:s14] =	ssyncset.done $0x0  }
0x19: {  	s3 =	simm.s32 $0x100;
	s16 =	rddreg [dreg:$0x6];
	[sflag:s14] =	ssyncadd.s32 $0xFFFFFF80  }
0x1a: {  	[tilespmem:s3], [sflag:$0x1] =	stream.linear.gather [hbm4b:s16+s5], $0x4000, $0x38;
	[tilespmem:$0x18100] =	vst v63  }
0x1b: {  	s31 =	simm.s32 $0x8100;
	s30 =	simm.s32 $0x0;
	s17 =	rddreg [dreg:$0x7]  }
0x1c: {  	[tilespmem:s31], [sflag:$0x3] =	stream.linear.gather [hbm4b:s17+s5], $0x4000, $0x38;
	[tilespmem:$0x18100] =	vst v63  }
.LBB2_2:
0x1d: {  	s0 =	sshll.u32 s30, $0xC  }
0x1e: {  	s31 =	sadd.s32 s10, s0  }
0x1f: {  	s3 =	sadd.s32 s1, s31  }
0x20: {  	[tilespmem:s18], [sflag:$0x2] =	stream.linear.gather [hbm4b:s3+s5], $0x4000, $0x38;
	[tilespmem:$0x18100] =	vst v63  }
0x21: {  	s16 =	sadd.s32 s2, s31  }
0x22: {  	[tilespmem:s19], [sflag:$0x4] =	stream.linear.gather [hbm4b:s16+s5], $0x4000, $0x38;
	[tilespmem:$0x18100] =	vst v63  }
0x23: {  	_ =	swait.ge [sflag:s20], $0x4000  }
0x24: {  	[sflag:s20] =	ssyncset.done $0x0  }
0x25: {  	[sflag:s20] =	ssyncadd.s32 $0xFFFFC000  }
0x26: {  	p0 =	seq.s32 s30, $0x0;
	s7 =	simm.s32 $0x0;
	_ =	swait.ge [sflag:s21], $0x4000  }
0x27: {  	s17 =	simm.s32 $0x0;
	s16 =	simm.s32 $0x0;
	[sflag:s21] =	ssyncset.done $0x0  }
0x28: {  	s3 =	simm.s32 @!p0 $0x5;
	s6 =	sand.u32 $0xFFFFE000, s16;
	[sflag:s21] =	ssyncadd.s32 $0xFFFFC000  }
0x29: {  	s7 =	sand.u32 $0x380, s7;
	s6 =	sadd.s32 $0x0, s6;
	_ =	swait.ge @!p0 [sflag:s3], $0x4000  }
0x2a: {  	s17 =	sand.u32 $0xFFFFE000, s17;
	s6 =	sadd.s32 s7, s6;
	[sflag:s3] =	ssyncset.done @!p0 $0x0  }
0x2b: {  	s6 =	ssub.s32 s6, s17;
	[sflag:s3] =	ssyncadd.s32 @!p0 $0xFFFFC000  }
0x2c: {  	v0 =	vld [tilespmem:s6+$0x570]  }
0x2d: {  	v1 =	vld [tilespmem:s6+$0x100]  }
0x2e: {  	v2 =	vld [tilespmem:s6+$0x110]  }
0x2f: {  	v3 =	vld [tilespmem:s6+$0x120]  }
0x30: {  	v4 =	vld [tilespmem:s6+$0x130]  }
0x31: {  	v5 =	vld [tilespmem:s6+$0x140]  }
0x32: {  	v12 =	vld [tilespmem:s6+$0x160]  }
0x33: {  	v13 =	vld [tilespmem:s6+$0x170]  }
0x34: {  	v16 =	vld [tilespmem:s6+$0x500]  }
0x35: {  	v18 =	vld [tilespmem:s6+$0x530];
	v6 =	vmul.f32 $3.000000000e+01, v0;
	v17 =	vmul.f32 $3.000000000e+01, v1  }
0x36: {  	v19 =	vld [tilespmem:s6+$0x540];
	v8 =	vmul.f32 $3.000000000e+01, v3;
	v9 =	vmul.f32 $3.000000000e+01, v4  }
0x37: {  	v22 =	vld [tilespmem:s6+$0x550];
	v10 =	vmul.f32 $3.000000000e+01, v5;
	v15 =	vmul.f32 $3.000000000e+01, v12  }
0x38: {  	v26 =	vld [tilespmem:s6+$0x560];
	v13 =	vmul.f32 $3.000000000e+01, v13;
	v7 =	vtrunc.f32 v6  }
0x39: {  	v30 =	vld [tilespmem:s6+$0x8100];
	v3 =	vtrunc.f32 v17;
	v5 =	vtrunc.f32 v8  }
0x3a: {  	v1 =	vld [tilespmem:s6+$0x510];
	v21 =	vtrunc.f32 v9;
	v23 =	vtrunc.f32 v10  }
0x3b: {  	v0 =	vld [tilespmem:s6+$0x150];
	v27 =	vtrunc.f32 v13;
	v14 =	vcvt.f32.s32 v7  }
0x3c: {  	v31 =	vld [tilespmem:s6+$0x8110];
	v7 =	vmul.f32 $3.000000000e+01, v2;
	v3 =	vcvt.f32.s32 v3  }
0x3d: {  	v29 =	vld [tilespmem:s6+$0x8570];
	v37 =	vcvt.f32.s32 v5;
	v21 =	vcvt.f32.s32 v21  }
0x3e: {  	v32 =	vld [tilespmem:s6+$0x8120];
	v23 =	vcvt.f32.s32 v23;
	v27 =	vcvt.f32.s32 v27  }
0x3f: {  	v2 =	vld [tilespmem:s6+$0x520];
	v12 =	vmul.f32 $3.000000000e+01, v1;
	v1 =	vmul.f32 $3.000000000e+01, v18  }
0x40: {  	v33 =	vld [tilespmem:s6+$0x8130];
	v4 =	vtrunc.f32 v7;
	v11 =	vmul.f32 $3.000000000e+01, v0  }
0x41: {  	v0 =	vmul.f32 $3.000000000e+01, v19;
	v36 =	vtrunc.f32 v1;
	v20 =	vld.idx.msk [tilespmem:v14+s15+$0x0], $0xffff  }
0x42: {  	v35 =	vld [tilespmem:s6+$0x8140];
	v34 =	vcvt.f32.s32 v4;
	v36 =	vcvt.f32.s32 v36  }
0x43: {  	v25 =	vtrunc.f32 v11;
	v38 =	vtrunc.f32 v0;
	v24 =	vld.idx.msk [tilespmem:v14+s5+$0x0], $0xffff  }
0x44: {  	v47 =	vld [tilespmem:s6+$0x8150];
	v2 =	vmul.f32 $3.000000000e+01, v2;
	v40 =	vcvt.f32.s32 v25  }
0x45: {  	v48 =	vld [tilespmem:s6+$0x8160];
	v44 =	vcvt.f32.s32 v38;
	v14 =	vmul.f32 $3.000000000e+01, v16  }
0x46: {  	v16 =	vtrunc.f32 v15;
	v25 =	vld.idx.msk [tilespmem:v3+s15+$0x0], $0xffff;
	v19 =	vtrunc.f32 v2;
	v4 =	vshll.u32 v20, $0x10  }
0x47: {  	v42 =	vcvt.f32.s32 v19;
	v19 =	vld.idx.msk [tilespmem:v23+s15+$0x0], $0xffff;
	v39 =	vmul.f32 v4, v6  }
0x48: {  	v28 =	vtrunc.f32 v14;
	v55 =	vld.idx.msk [tilespmem:v36+s15+$0x0], $0xffff;
	v4 =	vmul.f32 $3.000000000e+01, v22;
	v22 =	vshll.u32 v24, $0x10  }
0x49: {  	v6 =	vmul.f32 v22, v6;
	v20 =	vadd.f32 v20, v39;
	v39 =	vcvt.f32.s32 v16;
	v16 =	vld.idx.msk [tilespmem:v3+s5+$0x0], $0xffff  }
0x4a: {  	v18 =	vtrunc.f32 v12;
	v28 =	vcvt.f32.s32 v28;
	v22 =	vld.idx.msk [tilespmem:v34+s15+$0x0], $0xffff  }
0x4b: {  	v3 =	vmul.f32 $3.000000000e+01, v26;
	v6 =	vadd.f32 v24, v6;
	v24 =	vld.idx.msk [tilespmem:v37+s15+$0x0], $0xffff;
	v20 =	vmul.f32 v20, v29  }
0x4c: {  	v26 =	vtrunc.f32 v4;
	v29 =	vcvt.f32.s32 v18;
	v18 =	vld.idx.msk [tilespmem:v21+s15+$0x0], $0xffff  }
0x4d: {  	v57 =	vld.idx.msk [tilespmem:v44+s15+$0x0], $0xffff;
	v50 =	vcvt.f32.s32 v26;
	v49 =	vadd.f32 v20, v6;
	v6 =	vshll.u32 v25, $0x10  }
0x4e: {  	v41 =	vtrunc.f32 v3;
	v20 =	vld.idx.msk [tilespmem:v40+s15+$0x0], $0xffff;
	v26 =	vshll.u32 v16, $0x10;
	v6 =	vmul.f32 v6, v17  }
0x4f: {  	v51 =	vcvt.f32.s32 v41;
	v38 =	vld.idx.msk [tilespmem:v39+s15+$0x0], $0xffff;
	v17 =	vmul.f32 v26, v17;
	v26 =	vshll.u32 v22, $0x10  }
0x50: {  	v41 =	vld.idx.msk [tilespmem:v27+s15+$0x0], $0xffff;
	v43 =	vadd.f32 v25, v6;
	v25 =	vmul.f32 v26, v7;
	v26 =	vshll.u32 v24, $0x10  }
0x51: {  	v45 =	vld.idx.msk [tilespmem:v28+s15+$0x0], $0xffff;
	v6 =	vadd.f32 v16, v17;
	v16 =	vmul.f32 v26, v8;
	v17 =	vshll.u32 v18, $0x10  }
0x52: {  	v46 =	vld.idx.msk [tilespmem:v29+s15+$0x0], $0xffff;
	v52 =	vadd.f32 v22, v25;
	v17 =	vmul.f32 v17, v9;
	v22 =	vshll.u32 v19, $0x10  }
0x53: {  	v53 =	vld.idx.msk [tilespmem:v42+s15+$0x0], $0xffff;
	v54 =	vadd.f32 v24, v16;
	v16 =	vmul.f32 v22, v10;
	v22 =	vshll.u32 v20, $0x10  }
0x54: {  	v25 =	vld.idx.msk [tilespmem:v37+s5+$0x0], $0xffff;
	v56 =	vadd.f32 v18, v17;
	v17 =	vmul.f32 v22, v11;
	v18 =	vshll.u32 v38, $0x10  }
0x55: {  	v59 =	vld.idx.msk [tilespmem:v50+s15+$0x0], $0xffff;
	v58 =	vadd.f32 v19, v16;
	v16 =	vmul.f32 v18, v15;
	v18 =	vshll.u32 v41, $0x10  }
0x56: {  	v26 =	vld.idx.msk [tilespmem:v34+s5+$0x0], $0xffff;
	v60 =	vadd.f32 v20, v17;
	v17 =	vmul.f32 v18, v13;
	v18 =	vshll.u32 v45, $0x10  }
0x57: {  	v20 =	vld.idx.msk [tilespmem:v21+s5+$0x0], $0xffff;
	v34 =	vadd.f32 v38, v16;
	v16 =	vmul.f32 v18, v14;
	v18 =	vshll.u32 v46, $0x10  }
0x58: {  	v61 =	vld.idx.msk [tilespmem:v51+s15+$0x0], $0xffff;
	v37 =	vadd.f32 v41, v17;
	v17 =	vmul.f32 v18, v12;
	v18 =	vshll.u32 v53, $0x10  }
0x59: {  	v5 =	vld [tilespmem:s6+$0x8170];
	v62 =	vshll.u32 v25, $0x10;
	v22 =	vadd.f32 v45, v16;
	v16 =	vmul.f32 v18, v2  }
0x5a: {  	v28 =	vld.idx.msk [tilespmem:v28+s5+$0x0], $0xffff;
	v18 =	vshll.u32 v55, $0x10;
	v45 =	vmul.f32 v62, v8;
	v19 =	vadd.f32 v46, v17  }
0x5b: {  	v21 =	vld.idx.msk [tilespmem:v23+s5+$0x0], $0xffff;
	v17 =	vmul.f32 v18, v1;
	v18 =	vshll.u32 v57, $0x10;
	v16 =	vadd.f32 v53, v16  }
0x5c: {  	v23 =	vld.idx.msk [tilespmem:v40+s5+$0x0], $0xffff;
	v18 =	vmul.f32 v18, v0;
	v53 =	vshll.u32 v59, $0x10;
	v63 =	vshll.u32 v20, $0x10  }
0x5d: {  	v24 =	vld.idx.msk [tilespmem:v39+s5+$0x0], $0xffff;
	v17 =	vadd.f32 v55, v17;
	v38 =	vmul.f32 v53, v4;
	v55 =	vshll.u32 v61, $0x10  }
0x5e: {  	v27 =	vld.idx.msk [tilespmem:v27+s5+$0x0], $0xffff;
	v18 =	vadd.f32 v57, v18;
	v57 =	vshll.u32 v26, $0x10;
	v39 =	vmul.f32 v55, v3  }
0x5f: {  	v29 =	vld.idx.msk [tilespmem:v29+s5+$0x0], $0xffff;
	v41 =	vmul.f32 v63, v9;
	v46 =	vmul.f32 v57, v7;
	v7 =	vadd.f32 v59, v38  }
0x60: {  	v9 =	vld.idx.msk [tilespmem:v42+s5+$0x0], $0xffff;
	v38 =	vmul.f32 v43, v30;
	v30 =	vshll.u32 v21, $0x10;
	v8 =	vadd.f32 v61, v39  }
0x61: {  	v39 =	vmul.f32 v52, v31;
	v42 =	vmul.f32 v30, v10;
	v30 =	vshll.u32 v23, $0x10;
	v10 =	vld.idx.msk [tilespmem:v36+s5+$0x0], $0xffff  }
0x62: {  	v31 =	vmul.f32 v60, v47;
	v47 =	vld [tilespmem:s6+$0x8500];
	v43 =	vmul.f32 v30, v11;
	v30 =	vshll.u32 v24, $0x10  }
0x63: {  	v40 =	vmul.f32 v54, v32;
	v11 =	vld.idx.msk [tilespmem:v44+s5+$0x0], $0xffff;
	v44 =	vmul.f32 v30, v15;
	v15 =	vshll.u32 v27, $0x10  }
0x64: {  	v32 =	vmul.f32 v58, v35;
	v30 =	vld.idx.msk [tilespmem:v50+s5+$0x0], $0xffff;
	v35 =	vmul.f32 v15, v13;
	v15 =	vshll.u32 v28, $0x10  }
0x65: {  	v33 =	vmul.f32 v56, v33;
	v13 =	vld.idx.msk [tilespmem:v51+s5+$0x0], $0xffff;
	v36 =	vmul.f32 v15, v14;
	v15 =	vshll.u32 v29, $0x10  }
0x66: {  	s17 =	simm.s32 $0x0;
	s3 =	simm.s32 $0x100;
	[tilespmem:s6+$0x10570] =	vst v49;
	v14 =	vmul.f32 v34, v48;
	v34 =	vld [tilespmem:s6+$0x8510];
	v12 =	vmul.f32 v15, v12;
	v15 =	vshll.u32 v9, $0x10  }
.LBB2_3:
0x67: {  	s7 =	sshll.u32 s3, $0x3;
	v5 =	vmul.f32 v37, v5;
	v37 =	vld [tilespmem:s6+$0x8520];
	v2 =	vmul.f32 v15, v2;
	v15 =	vshll.u32 v10, $0x10;
	s16 =	sadd.s32 $0x800, s16  }
0x68: {  	s8 =	sand.u32 $0xFFFFE000, s3;
	s9 =	sshrl.u32 s3, $0x3;
	s17 =	sadd.s32 $0x100, s17;
	v26 =	vadd.f32 v26, v46;
	v46 =	vld [tilespmem:s6+$0x8530];
	v1 =	vmul.f32 v15, v1;
	v15 =	vshll.u32 v11, $0x10  }
0x69: {  	v25 =	vadd.f32 v25, v45;
	s8 =	sadd.s32 s8, s16;
	s9 =	sand.u32 $0x380, s9;
	p1 =	slt.u32 s17, $0x3F00;
	v45 =	vld [tilespmem:s6+$0x8540];
	v0 =	vmul.f32 v15, v0;
	v15 =	vshll.u32 v30, $0x10  }
0x6a: {  	s7 =	sand.u32 $0xFFFFE000, s7;
	s8 =	sadd.s32 s9, s8;
	v22 =	vmul.f32 v22, v47;
	v47 =	vld [tilespmem:s6+$0x8550];
	v4 =	vmul.f32 v15, v4;
	v15 =	vshll.u32 v13, $0x10  }
0x6b: {  	v20 =	vadd.f32 v20, v41;
	s7 =	ssub.s32 s8, s7;
	v19 =	vmul.f32 v19, v34;
	v34 =	vld [tilespmem:s6+$0x8560];
	v3 =	vmul.f32 v15, v3  }
0x6c: {  	v21 =	vadd.f32 v21, v42;
	v23 =	vadd.f32 v23, v43;
	v15 =	vld [tilespmem:s7+$0x570];
	v16 =	vmul.f32 v16, v37  }
0x6d: {  	v24 =	vadd.f32 v24, v44;
	v27 =	vadd.f32 v27, v35;
	v37 =	vld [tilespmem:s7+$0x100];
	v17 =	vmul.f32 v17, v46  }
0x6e: {  	v28 =	vadd.f32 v28, v36;
	v29 =	vadd.f32 v29, v12;
	v35 =	vld [tilespmem:s7+$0x110];
	v18 =	vmul.f32 v18, v45  }
0x6f: {  	v2 =	vadd.f32 v9, v2;
	v1 =	vadd.f32 v10, v1;
	v12 =	vld [tilespmem:s7+$0x120];
	v36 =	vmul.f32 v7, v47  }
0x70: {  	v0 =	vadd.f32 v11, v0;
	v4 =	vadd.f32 v30, v4;
	v9 =	vld [tilespmem:s7+$0x130];
	v34 =	vmul.f32 v8, v34  }
0x71: {  	v3 =	vadd.f32 v13, v3;
	v8 =	vadd.f32 v38, v6;
	v10 =	vld [tilespmem:s7+$0x140];
	v41 =	vmul.f32 $3.000000000e+01, v15  }
0x72: {  	v13 =	vadd.f32 v39, v26;
	v15 =	vadd.f32 v40, v25;
	v6 =	vmul.f32 $3.000000000e+01, v37;
	v11 =	vld [tilespmem:s7+$0x150]  }
0x73: {  	v20 =	vadd.f32 v33, v20;
	v7 =	vmul.f32 $3.000000000e+01, v35;
	v25 =	vld [tilespmem:s7+$0x160];
	v26 =	vtrunc.f32 v41;
	[tilespmem:s6+$0x10100] =	vst v8  }
0x74: {  	v8 =	vmul.f32 $3.000000000e+01, v12;
	v30 =	vld [tilespmem:s7+$0x170];
	v26 =	vcvt.f32.s32 v26;
	[tilespmem:s6+$0x10110] =	vst v13;
	v12 =	vadd.f32 v32, v21  }
0x75: {  	v21 =	vtrunc.f32 v6;
	v13 =	vadd.f32 v31, v23;
	v9 =	vmul.f32 $3.000000000e+01, v9;
	v32 =	vld [tilespmem:s7+$0x500];
	[tilespmem:s6+$0x10120] =	vst v15  }
0x76: {  	v14 =	vadd.f32 v14, v24;
	v23 =	vtrunc.f32 v7;
	v10 =	vmul.f32 $3.000000000e+01, v10;
	v15 =	vld [tilespmem:s7+$0x510];
	[tilespmem:s6+$0x10130] =	vst v20  }
0x77: {  	v5 =	vadd.f32 v5, v27;
	v20 =	vtrunc.f32 v8;
	v11 =	vmul.f32 $3.000000000e+01, v11;
	v24 =	vld [tilespmem:s7+$0x520];
	[tilespmem:s6+$0x10140] =	vst v12  }
0x78: {  	v22 =	vadd.f32 v22, v28;
	v27 =	vtrunc.f32 v9;
	v12 =	vmul.f32 $3.000000000e+01, v25;
	v25 =	vld [tilespmem:s7+$0x530];
	[tilespmem:s6+$0x10150] =	vst v13  }
0x79: {  	v19 =	vadd.f32 v19, v29;
	v28 =	vtrunc.f32 v10;
	v13 =	vmul.f32 $3.000000000e+01, v30;
	v31 =	vld [tilespmem:s7+$0x540];
	[tilespmem:s6+$0x10160] =	vst v14  }
0x7a: {  	v29 =	vtrunc.f32 v11;
	v14 =	vmul.f32 $3.000000000e+01, v32;
	v37 =	vld.idx.msk [tilespmem:v26+s15+$0x0], $0xffff;
	[tilespmem:s6+$0x10170] =	vst v5;
	v5 =	vadd.f32 v16, v2  }
0x7b: {  	v17 =	vadd.f32 v17, v1;
	v16 =	vtrunc.f32 v12;
	v15 =	vmul.f32 $3.000000000e+01, v15;
	v32 =	vld [tilespmem:s7+$0x550];
	[tilespmem:s6+$0x10500] =	vst v22  }
0x7c: {  	v18 =	vadd.f32 v18, v0;
	v22 =	vtrunc.f32 v13;
	v2 =	vmul.f32 $3.000000000e+01, v24;
	v24 =	vld.idx.msk [tilespmem:v26+s5+$0x0], $0xffff;
	[tilespmem:s6+$0x10510] =	vst v19  }
0x7d: {  	v19 =	vtrunc.f32 v14;
	v1 =	vmul.f32 $3.000000000e+01, v25;
	v25 =	vld [tilespmem:s7+$0x560];
	[tilespmem:s6+$0x10520] =	vst v5;
	v5 =	vadd.f32 v36, v4  }
0x7e: {  	v3 =	vadd.f32 v34, v3;
	v26 =	vtrunc.f32 v15;
	v30 =	vld [tilespmem:s7+$0x8100];
	v0 =	vmul.f32 $3.000000000e+01, v31;
	[tilespmem:s6+$0x10530] =	vst v17  }
0x7f: {  	v17 =	vtrunc.f32 v2;
	v31 =	vld [tilespmem:s7+$0x8110];
	v38 =	vtrunc.f32 v1;
	[tilespmem:s6+$0x10540] =	vst v18  }
0x80: {  	v33 =	vshll.u32 v37, $0x10;
	v18 =	vtrunc.f32 v0;
	v4 =	vmul.f32 $3.000000000e+01, v32;
	v39 =	vld [tilespmem:s7+$0x8570];
	[tilespmem:s6+$0x10550] =	vst v5  }
0x81: {  	v21 =	vcvt.f32.s32 v21;
	v5 =	vmul.f32 v33, v41;
	v32 =	vld [tilespmem:s7+$0x8120];
	[tilespmem:s6+$0x10560] =	vst v3;
	s6 =	smov.u32 s7  }
0x82: {  	v33 =	vld [tilespmem:s6+$0x8130];
	v40 =	vtrunc.f32 v4;
	v3 =	vmul.f32 $3.000000000e+01, v25;
	v25 =	vshll.u32 v24, $0x10  }
0x83: {  	v23 =	vcvt.f32.s32 v23;
	v5 =	vadd.f32 v37, v5;
	v35 =	vld [tilespmem:s6+$0x8140];
	v25 =	vmul.f32 v25, v41  }
0x84: {  	v20 =	vcvt.f32.s32 v20;
	v36 =	vld [tilespmem:s6+$0x8150];
	v37 =	vtrunc.f32 v3  }
0x85: {  	v27 =	vcvt.f32.s32 v27;
	v34 =	vld [tilespmem:s6+$0x8160];
	v24 =	vadd.f32 v24, v25;
	v25 =	vmul.f32 v5, v39  }
0x86: {  	v28 =	vcvt.f32.s32 v28;
	v29 =	vcvt.f32.s32 v29;
	v5 =	vld [tilespmem:s6+$0x8170]  }
0x87: {  	v42 =	vcvt.f32.s32 v22;
	v41 =	vcvt.f32.s32 v16;
	v39 =	vld.idx.msk [tilespmem:v21+s15+$0x0], $0xffff;
	v16 =	vadd.f32 v25, v24  }
0x88: {  	v43 =	vcvt.f32.s32 v19;
	v44 =	vcvt.f32.s32 v26;
	v21 =	vld.idx.msk [tilespmem:v21+s5+$0x0], $0xffff  }
0x89: {  	v47 =	vcvt.f32.s32 v17;
	v48 =	vcvt.f32.s32 v38;
	v19 =	vld.idx.msk [tilespmem:v23+s15+$0x0], $0xffff;
	[tilespmem:s6+$0x10570] =	vst v16  }
0x8a: {  	v49 =	vcvt.f32.s32 v18;
	v50 =	vcvt.f32.s32 v40;
	v16 =	vld.idx.msk [tilespmem:v20+s15+$0x0], $0xffff  }
0x8b: {  	v51 =	vcvt.f32.s32 v37;
	v17 =	vld.idx.msk [tilespmem:v27+s15+$0x0], $0xffff  }
0x8c: {  	v18 =	vld.idx.msk [tilespmem:v28+s15+$0x0], $0xffff  }
0x8d: {  	v22 =	vshll.u32 v39, $0x10;
	v24 =	vld.idx.msk [tilespmem:v29+s15+$0x0], $0xffff  }
0x8e: {  	v25 =	vshll.u32 v21, $0x10;
	v22 =	vmul.f32 v22, v6;
	v37 =	vld.idx.msk [tilespmem:v41+s15+$0x0], $0xffff  }
0x8f: {  	v6 =	vmul.f32 v25, v6;
	v25 =	vshll.u32 v19, $0x10;
	v38 =	vld.idx.msk [tilespmem:v42+s15+$0x0], $0xffff  }
0x90: {  	v39 =	vadd.f32 v39, v22;
	v22 =	vmul.f32 v25, v7;
	v25 =	vshll.u32 v16, $0x10;
	v40 =	vld.idx.msk [tilespmem:v43+s15+$0x0], $0xffff  }
0x91: {  	v6 =	vadd.f32 v21, v6;
	v21 =	vmul.f32 v25, v8;
	v25 =	vshll.u32 v17, $0x10;
	v45 =	vld.idx.msk [tilespmem:v44+s15+$0x0], $0xffff  }
0x92: {  	v52 =	vadd.f32 v19, v22;
	v19 =	vmul.f32 v25, v9;
	v22 =	vshll.u32 v18, $0x10;
	v46 =	vld.idx.msk [tilespmem:v47+s15+$0x0], $0xffff  }
0x93: {  	v53 =	vadd.f32 v16, v21;
	v16 =	vmul.f32 v22, v10;
	v21 =	vshll.u32 v24, $0x10;
	v54 =	vld.idx.msk [tilespmem:v48+s15+$0x0], $0xffff  }
0x94: {  	v55 =	vadd.f32 v17, v19;
	v17 =	vmul.f32 v21, v11;
	v19 =	vshll.u32 v37, $0x10;
	v56 =	vld.idx.msk [tilespmem:v49+s15+$0x0], $0xffff  }
0x95: {  	v57 =	vadd.f32 v18, v16;
	v16 =	vmul.f32 v19, v12;
	v18 =	vshll.u32 v38, $0x10;
	v58 =	vld.idx.msk [tilespmem:v50+s15+$0x0], $0xffff  }
0x96: {  	v59 =	vadd.f32 v24, v17;
	v17 =	vmul.f32 v18, v13;
	v18 =	vshll.u32 v40, $0x10;
	v60 =	vld.idx.msk [tilespmem:v51+s15+$0x0], $0xffff  }
0x97: {  	v61 =	vadd.f32 v37, v16;
	v16 =	vmul.f32 v18, v14;
	v18 =	vshll.u32 v45, $0x10;
	v26 =	vld.idx.msk [tilespmem:v23+s5+$0x0], $0xffff  }
0x98: {  	v37 =	vadd.f32 v38, v17;
	v17 =	vmul.f32 v18, v15;
	v18 =	vshll.u32 v46, $0x10;
	v25 =	vld.idx.msk [tilespmem:v20+s5+$0x0], $0xffff  }
0x99: {  	v22 =	vadd.f32 v40, v16;
	v16 =	vmul.f32 v18, v2;
	v18 =	vshll.u32 v54, $0x10;
	v20 =	vld.idx.msk [tilespmem:v27+s5+$0x0], $0xffff  }
0x9a: {  	v19 =	vadd.f32 v45, v17;
	v17 =	vmul.f32 v18, v1;
	v18 =	vshll.u32 v56, $0x10;
	v21 =	vld.idx.msk [tilespmem:v28+s5+$0x0], $0xffff  }
0x9b: {  	v16 =	vadd.f32 v46, v16;
	v18 =	vmul.f32 v18, v0;
	v27 =	vshll.u32 v58, $0x10;
	v23 =	vld.idx.msk [tilespmem:v29+s5+$0x0], $0xffff  }
0x9c: {  	v17 =	vadd.f32 v54, v17;
	v29 =	vmul.f32 v27, v4;
	v28 =	vshll.u32 v60, $0x10;
	v24 =	vld.idx.msk [tilespmem:v41+s5+$0x0], $0xffff  }
0x9d: {  	v38 =	vshll.u32 v26, $0x10;
	v18 =	vadd.f32 v56, v18;
	v40 =	vmul.f32 v28, v3;
	v27 =	vld.idx.msk [tilespmem:v42+s5+$0x0], $0xffff  }
0x9e: {  	v46 =	vmul.f32 v38, v7;
	v38 =	vshll.u32 v25, $0x10;
	v7 =	vadd.f32 v58, v29;
	v28 =	vld.idx.msk [tilespmem:v43+s5+$0x0], $0xffff  }
0x9f: {  	v45 =	vmul.f32 v38, v8;
	v41 =	vshll.u32 v20, $0x10;
	v8 =	vadd.f32 v60, v40;
	v29 =	vld.idx.msk [tilespmem:v44+s5+$0x0], $0xffff  }
0xa0: {  	v38 =	vmul.f32 v39, v30;
	v41 =	vmul.f32 v41, v9;
	v30 =	vshll.u32 v21, $0x10;
	v9 =	vld.idx.msk [tilespmem:v47+s5+$0x0], $0xffff  }
0xa1: {  	v39 =	vmul.f32 v52, v31;
	v42 =	vmul.f32 v30, v10;
	v30 =	vshll.u32 v23, $0x10;
	v10 =	vld.idx.msk [tilespmem:v48+s5+$0x0], $0xffff  }
.Ltmp0:
0xa2: {  	v40 =	vmul.f32 v53, v32;
	v43 =	vmul.f32 v30, v11;
	v30 =	vshll.u32 v24, $0x10;
	v11 =	vld.idx.msk [tilespmem:v49+s5+$0x0], $0xffff;
	(pc) =	sbr.rel @p1 .LBB2_3-.Ltmp0, $4  }
0xa3: {  	v33 =	vmul.f32 v55, v33;
	v44 =	vmul.f32 v30, v12;
	v12 =	vshll.u32 v27, $0x10;
	v30 =	vld.idx.msk [tilespmem:v50+s5+$0x0], $0xffff  }
0xa4: {  	v32 =	vmul.f32 v57, v35;
	v35 =	vmul.f32 v12, v13;
	v12 =	vshll.u32 v28, $0x10;
	v13 =	vld.idx.msk [tilespmem:v51+s5+$0x0], $0xffff  }
0xa5: {  	v31 =	vmul.f32 v59, v36;
	v36 =	vmul.f32 v12, v14;
	v12 =	vshll.u32 v29, $0x10;
	v47 =	vld [tilespmem:s6+$0x8500]  }
0xa6: {  	s3 =	sadd.s32 $0x100, s3;
	v14 =	vmul.f32 v61, v34;
	v12 =	vmul.f32 v12, v15;
	v15 =	vshll.u32 v9, $0x10;
	v34 =	vld [tilespmem:s6+$0x8510]  }
0xa7: {  	v2 =	vmul.f32 v15, v2;
	v15 =	vadd.f32 v26, v46;
	v25 =	vadd.f32 v25, v45  }
0xa8: {  	v6 =	vadd.f32 v38, v6;
	v20 =	vadd.f32 v20, v41  }
0xa9: {  	v5 =	vmul.f32 v37, v5;
	v21 =	vadd.f32 v21, v42;
	v23 =	vadd.f32 v23, v43  }
0xaa: {  	v62 =	vshll.u32 v10, $0x10;
	v24 =	vadd.f32 v24, v44;
	v15 =	vadd.f32 v39, v15  }
0xab: {  	v26 =	vshll.u32 v11, $0x10;
	v27 =	vadd.f32 v27, v35;
	v25 =	vadd.f32 v40, v25;
	[tilespmem:s6+$0x10100] =	vst v6  }
0xac: {  	v28 =	vadd.f32 v28, v36;
	v1 =	vmul.f32 v62, v1;
	v6 =	vld [tilespmem:s6+$0x8520];
	v20 =	vadd.f32 v33, v20;
	[tilespmem:s6+$0x10110] =	vst v15  }
0xad: {  	v0 =	vmul.f32 v26, v0;
	v26 =	vshll.u32 v30, $0x10;
	v21 =	vadd.f32 v32, v21;
	v15 =	vld [tilespmem:s6+$0x8530];
	[tilespmem:s6+$0x10120] =	vst v25  }
0xae: {  	v12 =	vadd.f32 v29, v12;
	v4 =	vmul.f32 v26, v4;
	v23 =	vadd.f32 v31, v23;
	v25 =	vld [tilespmem:s6+$0x8540];
	[tilespmem:s6+$0x10130] =	vst v20  }
0xaf: {  	v26 =	vshll.u32 v13, $0x10;
	v14 =	vadd.f32 v14, v24;
	v22 =	vmul.f32 v22, v47;
	v20 =	vld [tilespmem:s6+$0x8550];
	[tilespmem:s6+$0x10140] =	vst v21  }
0xb0: {  	v5 =	vadd.f32 v5, v27;
	v2 =	vadd.f32 v9, v2;
	v19 =	vmul.f32 v19, v34;
	v21 =	vld [tilespmem:s6+$0x8560];
	[tilespmem:s6+$0x10150] =	vst v23  }
0xb1: {  	v3 =	vmul.f32 v26, v3;
	[tilespmem:s6+$0x10160] =	vst v14;
	v9 =	vadd.f32 v22, v28;
	v6 =	vmul.f32 v16, v6  }
0xb2: {  	v1 =	vadd.f32 v10, v1;
	[tilespmem:s6+$0x10170] =	vst v5;
	v10 =	vadd.f32 v19, v12;
	v14 =	vmul.f32 v17, v15  }
0xb3: {  	v0 =	vadd.f32 v11, v0;
	[tilespmem:s6+$0x10500] =	vst v9;
	v5 =	vmul.f32 v18, v25;
	v2 =	vadd.f32 v6, v2  }
0xb4: {  	v4 =	vadd.f32 v30, v4;
	[tilespmem:s6+$0x10510] =	vst v10;
	v6 =	vmul.f32 v7, v20;
	v1 =	vadd.f32 v14, v1  }
0xb5: {  	v3 =	vadd.f32 v13, v3;
	v7 =	vmul.f32 v8, v21;
	v0 =	vadd.f32 v5, v0;
	[tilespmem:s6+$0x10520] =	vst v2  }
0xb6: {  	v2 =	vadd.f32 v6, v4;
	[tilespmem:s6+$0x10530] =	vst v1  }
0xb7: {  	v1 =	vadd.f32 v7, v3;
	[tilespmem:s6+$0x10540] =	vst v0  }
0xb8: {  	p1 =	seq.s32 s30, $0xF;
	[tilespmem:s6+$0x10550] =	vst v2  }
0xb9: {  	s3 =	sadd.s32 s0, s11;
	s0 =	sadd.s32 @!p1 s0, s12;
	[tilespmem:s6+$0x10560] =	vst v1  }
0xba: {  	[hbm4b:s3+s5] =	stream.linear.scatter [tilespmem:s22], [sflag:$0x5], $0x4000, $0x38;
	[tilespmem:$0x18100] =	vst v63  }
0xbb: {  	s7 =	simm.s32 @!p1 $0x100;
	s6 =	simm.s32 @!p1 $0x0;
	s3 =	sadd.s32 @!p1 s1, s0  }
0xbc: {  	[tilespmem:s7], [sflag:$0x1] =	stream.linear.gather @!p1 [hbm4b:s3+s6], $0x4000, $0x38;
	[tilespmem:$0x18100] =	vst v63  }
0xbd: {  	s0 =	sadd.s32 @!p1 s2, s0;
	s3 =	simm.s32 @!p1 $0x8100  }
0xbe: {  	[tilespmem:s3], [sflag:$0x3] =	stream.linear.gather @!p1 [hbm4b:s0+s6], $0x4000, $0x38;
	[tilespmem:$0x18100] =	vst v63  }
0xbf: {  	_ =	swait.ge [sflag:s23], $0x4000  }
0xc0: {  	[sflag:s23] =	ssyncset.done $0x0  }
0xc1: {  	[sflag:s23] =	ssyncadd.s32 $0xFFFFC000  }
0xc2: {  	s16 =	simm.s32 $0x0;
	_ =	swait.ge [sflag:s24], $0x4000  }
0xc3: {  	s8 =	simm.s32 $0x0;
	s6 =	simm.s32 $0x0;
	[sflag:s24] =	ssyncset.done $0x0  }
0xc4: {  	s0 =	simm.s32 @!p0 $0x6;
	s9 =	sand.u32 $0xFFFFE000, s6;
	[sflag:s24] =	ssyncadd.s32 $0xFFFFC000  }
0xc5: {  	s7 =	sand.u32 $0x380, s16;
	s3 =	sadd.s32 $0x0, s9;
	_ =	swait.ge @!p0 [sflag:s0], $0x4000  }
0xc6: {  	s17 =	sand.u32 $0xFFFFE000, s8;
	s3 =	sadd.s32 s7, s3;
	[sflag:s0] =	ssyncset.done @!p0 $0x0  }
0xc7: {  	[sflag:s0] =	ssyncadd.s32 @!p0 $0xFFFFC000;
	s0 =	ssub.s32 s3, s17  }
0xc8: {  	v0 =	vld [tilespmem:s0+$0x4570]  }
0xc9: {  	v1 =	vld [tilespmem:s0+$0x4100]  }
0xca: {  	v2 =	vld [tilespmem:s0+$0x4110]  }
0xcb: {  	v3 =	vld [tilespmem:s0+$0x4120]  }
0xcc: {  	v4 =	vld [tilespmem:s0+$0x4130]  }
0xcd: {  	v5 =	vld [tilespmem:s0+$0x4140]  }
0xce: {  	v12 =	vld [tilespmem:s0+$0x4160]  }
0xcf: {  	v13 =	vld [tilespmem:s0+$0x4170]  }
0xd0: {  	v16 =	vld [tilespmem:s0+$0x4500]  }
0xd1: {  	v18 =	vld [tilespmem:s0+$0x4530];
	v6 =	vmul.f32 $3.000000000e+01, v0;
	v17 =	vmul.f32 $3.000000000e+01, v1  }
0xd2: {  	v19 =	vld [tilespmem:s0+$0x4540];
	v8 =	vmul.f32 $3.000000000e+01, v3;
	v9 =	vmul.f32 $3.000000000e+01, v4  }
0xd3: {  	v22 =	vld [tilespmem:s0+$0x4550];
	v10 =	vmul.f32 $3.000000000e+01, v5;
	v15 =	vmul.f32 $3.000000000e+01, v12  }
0xd4: {  	v26 =	vld [tilespmem:s0+$0x4560];
	v13 =	vmul.f32 $3.000000000e+01, v13;
	v7 =	vtrunc.f32 v6  }
0xd5: {  	v30 =	vld [tilespmem:s0+$0xC100];
	v3 =	vtrunc.f32 v17;
	v5 =	vtrunc.f32 v8  }
0xd6: {  	v0 =	vld [tilespmem:s0+$0x4150];
	v21 =	vtrunc.f32 v9;
	v23 =	vtrunc.f32 v10  }
0xd7: {  	v1 =	vld [tilespmem:s0+$0x4510];
	v27 =	vtrunc.f32 v13;
	v14 =	vcvt.f32.s32 v7  }
0xd8: {  	v31 =	vld [tilespmem:s0+$0xC110];
	v7 =	vmul.f32 $3.000000000e+01, v2;
	v3 =	vcvt.f32.s32 v3  }
0xd9: {  	v29 =	vld [tilespmem:s0+$0xC570];
	v37 =	vcvt.f32.s32 v5;
	v21 =	vcvt.f32.s32 v21  }
0xda: {  	v32 =	vld [tilespmem:s0+$0xC120];
	v23 =	vcvt.f32.s32 v23;
	v27 =	vcvt.f32.s32 v27  }
0xdb: {  	v2 =	vld [tilespmem:s0+$0x4520];
	v4 =	vtrunc.f32 v7;
	v11 =	vmul.f32 $3.000000000e+01, v0  }
0xdc: {  	v33 =	vld [tilespmem:s0+$0xC130];
	v12 =	vmul.f32 $3.000000000e+01, v1;
	v1 =	vmul.f32 $3.000000000e+01, v18  }
0xdd: {  	v0 =	vmul.f32 $3.000000000e+01, v19;
	v34 =	vcvt.f32.s32 v4;
	v20 =	vld.idx.msk [tilespmem:v14+s15+$0x0], $0xffff  }
0xde: {  	v35 =	vld [tilespmem:s0+$0xC140];
	v25 =	vtrunc.f32 v11;
	v18 =	vtrunc.f32 v12  }
0xdf: {  	v63 =	vtrunc.f32 v1;
	v46 =	vtrunc.f32 v0;
	v24 =	vld.idx.msk [tilespmem:v14+s5+$0x0], $0xffff  }
0xe0: {  	v47 =	vld [tilespmem:s0+$0xC150];
	v2 =	vmul.f32 $3.000000000e+01, v2;
	v40 =	vcvt.f32.s32 v25  }
0xe1: {  	v48 =	vld [tilespmem:s0+$0xC160];
	v36 =	vcvt.f32.s32 v63;
	v44 =	vcvt.f32.s32 v46  }
0xe2: {  	v14 =	vmul.f32 $3.000000000e+01, v16;
	v16 =	vtrunc.f32 v15;
	v25 =	vld.idx.msk [tilespmem:v3+s15+$0x0], $0xffff;
	v4 =	vshll.u32 v20, $0x10  }
0xe3: {  	v41 =	vld.idx.msk [tilespmem:v27+s15+$0x0], $0xffff;
	v19 =	vtrunc.f32 v2;
	v51 =	vmul.f32 v4, v6  }
0xe4: {  	v39 =	vcvt.f32.s32 v16;
	v16 =	vld.idx.msk [tilespmem:v3+s5+$0x0], $0xffff;
	v4 =	vmul.f32 $3.000000000e+01, v22;
	v22 =	vshll.u32 v24, $0x10  }
0xe5: {  	v42 =	vcvt.f32.s32 v19;
	v19 =	vld.idx.msk [tilespmem:v23+s15+$0x0], $0xffff;
	v6 =	vmul.f32 v22, v6;
	v20 =	vadd.f32 v20, v51  }
0xe6: {  	v3 =	vmul.f32 $3.000000000e+01, v26;
	v28 =	vtrunc.f32 v14;
	v22 =	vld.idx.msk [tilespmem:v34+s15+$0x0], $0xffff  }
0xe7: {  	v28 =	vcvt.f32.s32 v28;
	v6 =	vadd.f32 v24, v6;
	v24 =	vld.idx.msk [tilespmem:v37+s15+$0x0], $0xffff;
	v20 =	vmul.f32 v20, v29  }
0xe8: {  	v52 =	vtrunc.f32 v3;
	v29 =	vcvt.f32.s32 v18;
	v18 =	vld.idx.msk [tilespmem:v21+s15+$0x0], $0xffff  }
0xe9: {  	v55 =	vld.idx.msk [tilespmem:v36+s15+$0x0], $0xffff;
	v26 =	vtrunc.f32 v4;
	v49 =	vadd.f32 v20, v6;
	v6 =	vshll.u32 v25, $0x10  }
0xea: {  	v50 =	vcvt.f32.s32 v26;
	v26 =	vshll.u32 v16, $0x10;
	v20 =	vld.idx.msk [tilespmem:v40+s15+$0x0], $0xffff;
	v6 =	vmul.f32 v6, v17  }
0xeb: {  	v38 =	vld.idx.msk [tilespmem:v39+s15+$0x0], $0xffff;
	v51 =	vcvt.f32.s32 v52;
	v17 =	vmul.f32 v26, v17;
	v26 =	vshll.u32 v22, $0x10  }
0xec: {  	v57 =	vld.idx.msk [tilespmem:v44+s15+$0x0], $0xffff;
	v43 =	vadd.f32 v25, v6;
	v25 =	vmul.f32 v26, v7;
	v26 =	vshll.u32 v24, $0x10  }
0xed: {  	v45 =	vld.idx.msk [tilespmem:v28+s15+$0x0], $0xffff;
	v6 =	vadd.f32 v16, v17;
	v17 =	vshll.u32 v18, $0x10;
	v16 =	vmul.f32 v26, v8  }
0xee: {  	v46 =	vld.idx.msk [tilespmem:v29+s15+$0x0], $0xffff;
	v17 =	vmul.f32 v17, v9;
	v52 =	vadd.f32 v22, v25;
	v22 =	vshll.u32 v19, $0x10  }
0xef: {  	v53 =	vld.idx.msk [tilespmem:v42+s15+$0x0], $0xffff;
	v54 =	vadd.f32 v24, v16;
	v16 =	vmul.f32 v22, v10;
	v22 =	vshll.u32 v20, $0x10  }
0xf0: {  	v25 =	vld.idx.msk [tilespmem:v37+s5+$0x0], $0xffff;
	v56 =	vadd.f32 v18, v17;
	v18 =	vshll.u32 v38, $0x10;
	v17 =	vmul.f32 v22, v11  }
0xf1: {  	v59 =	vld.idx.msk [tilespmem:v50+s15+$0x0], $0xffff;
	v58 =	vadd.f32 v19, v16;
	v16 =	vmul.f32 v18, v15;
	v18 =	vshll.u32 v41, $0x10  }
0xf2: {  	v26 =	vld.idx.msk [tilespmem:v34+s5+$0x0], $0xffff;
	v60 =	vadd.f32 v20, v17;
	v17 =	vmul.f32 v18, v13;
	v18 =	vshll.u32 v45, $0x10  }
0xf3: {  	v20 =	vld.idx.msk [tilespmem:v21+s5+$0x0], $0xffff;
	v34 =	vadd.f32 v38, v16;
	v16 =	vmul.f32 v18, v14;
	v18 =	vshll.u32 v46, $0x10  }
0xf4: {  	v61 =	vld.idx.msk [tilespmem:v51+s15+$0x0], $0xffff;
	v37 =	vadd.f32 v41, v17;
	v17 =	vmul.f32 v18, v12;
	v18 =	vshll.u32 v53, $0x10  }
0xf5: {  	v5 =	vld [tilespmem:s0+$0xC170];
	v62 =	vshll.u32 v25, $0x10;
	v22 =	vadd.f32 v45, v16;
	v16 =	vmul.f32 v18, v2  }
0xf6: {  	v27 =	vld.idx.msk [tilespmem:v27+s5+$0x0], $0xffff;
	v18 =	vshll.u32 v55, $0x10;
	v45 =	vmul.f32 v62, v8;
	v19 =	vadd.f32 v46, v17  }
0xf7: {  	v21 =	vld.idx.msk [tilespmem:v23+s5+$0x0], $0xffff;
	v17 =	vmul.f32 v18, v1;
	v18 =	vshll.u32 v57, $0x10;
	v16 =	vadd.f32 v53, v16  }
0xf8: {  	v23 =	vld.idx.msk [tilespmem:v40+s5+$0x0], $0xffff;
	v18 =	vmul.f32 v18, v0;
	v53 =	vshll.u32 v59, $0x10;
	v63 =	vshll.u32 v20, $0x10  }
0xf9: {  	v24 =	vld.idx.msk [tilespmem:v39+s5+$0x0], $0xffff;
	v17 =	vadd.f32 v55, v17;
	v38 =	vmul.f32 v53, v4;
	v55 =	vshll.u32 v61, $0x10  }
0xfa: {  	v28 =	vld.idx.msk [tilespmem:v28+s5+$0x0], $0xffff;
	v18 =	vadd.f32 v57, v18;
	v57 =	vshll.u32 v26, $0x10;
	v39 =	vmul.f32 v55, v3  }
0xfb: {  	v29 =	vld.idx.msk [tilespmem:v29+s5+$0x0], $0xffff;
	v41 =	vmul.f32 v63, v9;
	v46 =	vmul.f32 v57, v7;
	v7 =	vadd.f32 v59, v38  }
0xfc: {  	v9 =	vld.idx.msk [tilespmem:v42+s5+$0x0], $0xffff;
	v38 =	vmul.f32 v43, v30;
	v30 =	vshll.u32 v21, $0x10;
	v8 =	vadd.f32 v61, v39  }
0xfd: {  	v39 =	vmul.f32 v52, v31;
	v42 =	vmul.f32 v30, v10;
	v30 =	vshll.u32 v23, $0x10;
	v10 =	vld.idx.msk [tilespmem:v36+s5+$0x0], $0xffff  }
0xfe: {  	v31 =	vmul.f32 v60, v47;
	v47 =	vld [tilespmem:s0+$0xC500];
	v43 =	vmul.f32 v30, v11;
	v30 =	vshll.u32 v24, $0x10  }
0xff: {  	v40 =	vmul.f32 v54, v32;
	v11 =	vld.idx.msk [tilespmem:v44+s5+$0x0], $0xffff;
	v44 =	vmul.f32 v30, v15;
	v15 =	vshll.u32 v27, $0x10  }
0x100: {  	v32 =	vmul.f32 v58, v35;
	v30 =	vld.idx.msk [tilespmem:v50+s5+$0x0], $0xffff;
	v35 =	vmul.f32 v15, v13;
	v15 =	vshll.u32 v28, $0x10  }
0x101: {  	v33 =	vmul.f32 v56, v33;
	v13 =	vld.idx.msk [tilespmem:v51+s5+$0x0], $0xffff;
	v36 =	vmul.f32 v15, v14;
	v15 =	vshll.u32 v29, $0x10  }
0x102: {  	s16 =	simm.s32 $0x0;
	s3 =	simm.s32 $0x100;
	[tilespmem:s0+$0x14570] =	vst v49;
	v14 =	vmul.f32 v34, v48;
	v34 =	vld [tilespmem:s0+$0xC510];
	v12 =	vmul.f32 v15, v12;
	v15 =	vshll.u32 v9, $0x10  }
.LBB2_5:
0x103: {  	s7 =	sshll.u32 s3, $0x3;
	v5 =	vmul.f32 v37, v5;
	v37 =	vld [tilespmem:s0+$0xC520];
	v2 =	vmul.f32 v15, v2;
	v15 =	vshll.u32 v10, $0x10;
	s6 =	sadd.s32 $0x800, s6  }
0x104: {  	s8 =	sand.u32 $0xFFFFE000, s3;
	s9 =	sshrl.u32 s3, $0x3;
	s16 =	sadd.s32 $0x100, s16;
	v26 =	vadd.f32 v26, v46;
	v46 =	vld [tilespmem:s0+$0xC530];
	v1 =	vmul.f32 v15, v1;
	v15 =	vshll.u32 v11, $0x10  }
0x105: {  	v25 =	vadd.f32 v25, v45;
	s8 =	sadd.s32 s8, s6;
	s9 =	sand.u32 $0x380, s9;
	p0 =	slt.u32 s16, $0x3F00;
	v45 =	vld [tilespmem:s0+$0xC540];
	v0 =	vmul.f32 v15, v0;
	v15 =	vshll.u32 v30, $0x10  }
0x106: {  	s7 =	sand.u32 $0xFFFFE000, s7;
	s8 =	sadd.s32 s9, s8;
	v22 =	vmul.f32 v22, v47;
	v47 =	vld [tilespmem:s0+$0xC550];
	v4 =	vmul.f32 v15, v4;
	v15 =	vshll.u32 v13, $0x10  }
0x107: {  	v20 =	vadd.f32 v20, v41;
	s7 =	ssub.s32 s8, s7;
	v19 =	vmul.f32 v19, v34;
	v34 =	vld [tilespmem:s0+$0xC560];
	v3 =	vmul.f32 v15, v3  }
0x108: {  	v21 =	vadd.f32 v21, v42;
	v23 =	vadd.f32 v23, v43;
	v15 =	vld [tilespmem:s7+$0x4570];
	v16 =	vmul.f32 v16, v37  }
0x109: {  	v24 =	vadd.f32 v24, v44;
	v27 =	vadd.f32 v27, v35;
	v37 =	vld [tilespmem:s7+$0x4100];
	v17 =	vmul.f32 v17, v46  }
0x10a: {  	v28 =	vadd.f32 v28, v36;
	v29 =	vadd.f32 v29, v12;
	v35 =	vld [tilespmem:s7+$0x4110];
	v18 =	vmul.f32 v18, v45  }
0x10b: {  	v2 =	vadd.f32 v9, v2;
	v1 =	vadd.f32 v10, v1;
	v12 =	vld [tilespmem:s7+$0x4120];
	v36 =	vmul.f32 v7, v47  }
0x10c: {  	v0 =	vadd.f32 v11, v0;
	v4 =	vadd.f32 v30, v4;
	v9 =	vld [tilespmem:s7+$0x4130];
	v34 =	vmul.f32 v8, v34  }
0x10d: {  	v3 =	vadd.f32 v13, v3;
	v8 =	vadd.f32 v38, v6;
	v10 =	vld [tilespmem:s7+$0x4140];
	v41 =	vmul.f32 $3.000000000e+01, v15  }
0x10e: {  	v13 =	vadd.f32 v39, v26;
	v15 =	vadd.f32 v40, v25;
	v6 =	vmul.f32 $3.000000000e+01, v37;
	v11 =	vld [tilespmem:s7+$0x4150]  }
0x10f: {  	v20 =	vadd.f32 v33, v20;
	v7 =	vmul.f32 $3.000000000e+01, v35;
	v25 =	vld [tilespmem:s7+$0x4160];
	v26 =	vtrunc.f32 v41;
	[tilespmem:s0+$0x14100] =	vst v8  }
0x110: {  	v8 =	vmul.f32 $3.000000000e+01, v12;
	v30 =	vld [tilespmem:s7+$0x4170];
	v26 =	vcvt.f32.s32 v26;
	[tilespmem:s0+$0x14110] =	vst v13;
	v12 =	vadd.f32 v32, v21  }
0x111: {  	v21 =	vtrunc.f32 v6;
	v13 =	vadd.f32 v31, v23;
	v9 =	vmul.f32 $3.000000000e+01, v9;
	v32 =	vld [tilespmem:s7+$0x4500];
	[tilespmem:s0+$0x14120] =	vst v15  }
0x112: {  	v14 =	vadd.f32 v14, v24;
	v23 =	vtrunc.f32 v7;
	v10 =	vmul.f32 $3.000000000e+01, v10;
	v15 =	vld [tilespmem:s7+$0x4510];
	[tilespmem:s0+$0x14130] =	vst v20  }
0x113: {  	v5 =	vadd.f32 v5, v27;
	v20 =	vtrunc.f32 v8;
	v11 =	vmul.f32 $3.000000000e+01, v11;
	v24 =	vld [tilespmem:s7+$0x4520];
	[tilespmem:s0+$0x14140] =	vst v12  }
0x114: {  	v22 =	vadd.f32 v22, v28;
	v27 =	vtrunc.f32 v9;
	v12 =	vmul.f32 $3.000000000e+01, v25;
	v25 =	vld [tilespmem:s7+$0x4530];
	[tilespmem:s0+$0x14150] =	vst v13  }
0x115: {  	v19 =	vadd.f32 v19, v29;
	v28 =	vtrunc.f32 v10;
	v13 =	vmul.f32 $3.000000000e+01, v30;
	v31 =	vld [tilespmem:s7+$0x4540];
	[tilespmem:s0+$0x14160] =	vst v14  }
0x116: {  	v29 =	vtrunc.f32 v11;
	v14 =	vmul.f32 $3.000000000e+01, v32;
	v37 =	vld.idx.msk [tilespmem:v26+s15+$0x0], $0xffff;
	[tilespmem:s0+$0x14170] =	vst v5;
	v5 =	vadd.f32 v16, v2  }
0x117: {  	v17 =	vadd.f32 v17, v1;
	v16 =	vtrunc.f32 v12;
	v15 =	vmul.f32 $3.000000000e+01, v15;
	v32 =	vld [tilespmem:s7+$0x4550];
	[tilespmem:s0+$0x14500] =	vst v22  }
0x118: {  	v18 =	vadd.f32 v18, v0;
	v22 =	vtrunc.f32 v13;
	v2 =	vmul.f32 $3.000000000e+01, v24;
	v24 =	vld.idx.msk [tilespmem:v26+s5+$0x0], $0xffff;
	[tilespmem:s0+$0x14510] =	vst v19  }
0x119: {  	v19 =	vtrunc.f32 v14;
	v1 =	vmul.f32 $3.000000000e+01, v25;
	v25 =	vld [tilespmem:s7+$0x4560];
	[tilespmem:s0+$0x14520] =	vst v5;
	v5 =	vadd.f32 v36, v4  }
0x11a: {  	v3 =	vadd.f32 v34, v3;
	v26 =	vtrunc.f32 v15;
	v30 =	vld [tilespmem:s7+$0xC100];
	v0 =	vmul.f32 $3.000000000e+01, v31;
	[tilespmem:s0+$0x14530] =	vst v17  }
0x11b: {  	v17 =	vtrunc.f32 v2;
	v31 =	vld [tilespmem:s7+$0xC110];
	v38 =	vtrunc.f32 v1;
	[tilespmem:s0+$0x14540] =	vst v18  }
0x11c: {  	v33 =	vshll.u32 v37, $0x10;
	v18 =	vtrunc.f32 v0;
	v4 =	vmul.f32 $3.000000000e+01, v32;
	v39 =	vld [tilespmem:s7+$0xC570];
	[tilespmem:s0+$0x14550] =	vst v5  }
0x11d: {  	v21 =	vcvt.f32.s32 v21;
	v5 =	vmul.f32 v33, v41;
	v32 =	vld [tilespmem:s7+$0xC120];
	[tilespmem:s0+$0x14560] =	vst v3;
	s0 =	smov.u32 s7  }
0x11e: {  	v33 =	vld [tilespmem:s0+$0xC130];
	v40 =	vtrunc.f32 v4;
	v3 =	vmul.f32 $3.000000000e+01, v25;
	v25 =	vshll.u32 v24, $0x10  }
0x11f: {  	v23 =	vcvt.f32.s32 v23;
	v5 =	vadd.f32 v37, v5;
	v35 =	vld [tilespmem:s0+$0xC140];
	v25 =	vmul.f32 v25, v41  }
0x120: {  	v20 =	vcvt.f32.s32 v20;
	v36 =	vld [tilespmem:s0+$0xC150];
	v37 =	vtrunc.f32 v3  }
0x121: {  	v27 =	vcvt.f32.s32 v27;
	v34 =	vld [tilespmem:s0+$0xC160];
	v24 =	vadd.f32 v24, v25;
	v25 =	vmul.f32 v5, v39  }
0x122: {  	v28 =	vcvt.f32.s32 v28;
	v29 =	vcvt.f32.s32 v29;
	v5 =	vld [tilespmem:s0+$0xC170]  }
0x123: {  	v42 =	vcvt.f32.s32 v22;
	v41 =	vcvt.f32.s32 v16;
	v39 =	vld.idx.msk [tilespmem:v21+s15+$0x0], $0xffff;
	v16 =	vadd.f32 v25, v24  }
0x124: {  	v43 =	vcvt.f32.s32 v19;
	v44 =	vcvt.f32.s32 v26;
	v21 =	vld.idx.msk [tilespmem:v21+s5+$0x0], $0xffff  }
0x125: {  	v47 =	vcvt.f32.s32 v17;
	v48 =	vcvt.f32.s32 v38;
	v19 =	vld.idx.msk [tilespmem:v23+s15+$0x0], $0xffff;
	[tilespmem:s0+$0x14570] =	vst v16  }
0x126: {  	v49 =	vcvt.f32.s32 v18;
	v50 =	vcvt.f32.s32 v40;
	v16 =	vld.idx.msk [tilespmem:v20+s15+$0x0], $0xffff  }
0x127: {  	v51 =	vcvt.f32.s32 v37;
	v17 =	vld.idx.msk [tilespmem:v27+s15+$0x0], $0xffff  }
0x128: {  	v18 =	vld.idx.msk [tilespmem:v28+s15+$0x0], $0xffff  }
0x129: {  	v22 =	vshll.u32 v39, $0x10;
	v24 =	vld.idx.msk [tilespmem:v29+s15+$0x0], $0xffff  }
0x12a: {  	v25 =	vshll.u32 v21, $0x10;
	v22 =	vmul.f32 v22, v6;
	v37 =	vld.idx.msk [tilespmem:v41+s15+$0x0], $0xffff  }
0x12b: {  	v6 =	vmul.f32 v25, v6;
	v25 =	vshll.u32 v19, $0x10;
	v38 =	vld.idx.msk [tilespmem:v42+s15+$0x0], $0xffff  }
0x12c: {  	v39 =	vadd.f32 v39, v22;
	v22 =	vmul.f32 v25, v7;
	v25 =	vshll.u32 v16, $0x10;
	v40 =	vld.idx.msk [tilespmem:v43+s15+$0x0], $0xffff  }
0x12d: {  	v6 =	vadd.f32 v21, v6;
	v21 =	vmul.f32 v25, v8;
	v25 =	vshll.u32 v17, $0x10;
	v45 =	vld.idx.msk [tilespmem:v44+s15+$0x0], $0xffff  }
0x12e: {  	v52 =	vadd.f32 v19, v22;
	v19 =	vmul.f32 v25, v9;
	v22 =	vshll.u32 v18, $0x10;
	v46 =	vld.idx.msk [tilespmem:v47+s15+$0x0], $0xffff  }
0x12f: {  	v53 =	vadd.f32 v16, v21;
	v16 =	vmul.f32 v22, v10;
	v21 =	vshll.u32 v24, $0x10;
	v54 =	vld.idx.msk [tilespmem:v48+s15+$0x0], $0xffff  }
0x130: {  	v55 =	vadd.f32 v17, v19;
	v17 =	vmul.f32 v21, v11;
	v19 =	vshll.u32 v37, $0x10;
	v56 =	vld.idx.msk [tilespmem:v49+s15+$0x0], $0xffff  }
0x131: {  	v57 =	vadd.f32 v18, v16;
	v16 =	vmul.f32 v19, v12;
	v18 =	vshll.u32 v38, $0x10;
	v58 =	vld.idx.msk [tilespmem:v50+s15+$0x0], $0xffff  }
0x132: {  	v59 =	vadd.f32 v24, v17;
	v17 =	vmul.f32 v18, v13;
	v18 =	vshll.u32 v40, $0x10;
	v60 =	vld.idx.msk [tilespmem:v51+s15+$0x0], $0xffff  }
0x133: {  	v61 =	vadd.f32 v37, v16;
	v16 =	vmul.f32 v18, v14;
	v18 =	vshll.u32 v45, $0x10;
	v26 =	vld.idx.msk [tilespmem:v23+s5+$0x0], $0xffff  }
0x134: {  	v37 =	vadd.f32 v38, v17;
	v17 =	vmul.f32 v18, v15;
	v18 =	vshll.u32 v46, $0x10;
	v25 =	vld.idx.msk [tilespmem:v20+s5+$0x0], $0xffff  }
0x135: {  	v22 =	vadd.f32 v40, v16;
	v16 =	vmul.f32 v18, v2;
	v18 =	vshll.u32 v54, $0x10;
	v20 =	vld.idx.msk [tilespmem:v27+s5+$0x0], $0xffff  }
0x136: {  	v19 =	vadd.f32 v45, v17;
	v17 =	vmul.f32 v18, v1;
	v18 =	vshll.u32 v56, $0x10;
	v21 =	vld.idx.msk [tilespmem:v28+s5+$0x0], $0xffff  }
0x137: {  	v16 =	vadd.f32 v46, v16;
	v18 =	vmul.f32 v18, v0;
	v27 =	vshll.u32 v58, $0x10;
	v23 =	vld.idx.msk [tilespmem:v29+s5+$0x0], $0xffff  }
0x138: {  	v17 =	vadd.f32 v54, v17;
	v29 =	vmul.f32 v27, v4;
	v28 =	vshll.u32 v60, $0x10;
	v24 =	vld.idx.msk [tilespmem:v41+s5+$0x0], $0xffff  }
0x139: {  	v38 =	vshll.u32 v26, $0x10;
	v18 =	vadd.f32 v56, v18;
	v40 =	vmul.f32 v28, v3;
	v27 =	vld.idx.msk [tilespmem:v42+s5+$0x0], $0xffff  }
0x13a: {  	v46 =	vmul.f32 v38, v7;
	v38 =	vshll.u32 v25, $0x10;
	v7 =	vadd.f32 v58, v29;
	v28 =	vld.idx.msk [tilespmem:v43+s5+$0x0], $0xffff  }
0x13b: {  	v45 =	vmul.f32 v38, v8;
	v41 =	vshll.u32 v20, $0x10;
	v8 =	vadd.f32 v60, v40;
	v29 =	vld.idx.msk [tilespmem:v44+s5+$0x0], $0xffff  }
0x13c: {  	v38 =	vmul.f32 v39, v30;
	v41 =	vmul.f32 v41, v9;
	v30 =	vshll.u32 v21, $0x10;
	v9 =	vld.idx.msk [tilespmem:v47+s5+$0x0], $0xffff  }
0x13d: {  	v39 =	vmul.f32 v52, v31;
	v42 =	vmul.f32 v30, v10;
	v30 =	vshll.u32 v23, $0x10;
	v10 =	vld.idx.msk [tilespmem:v48+s5+$0x0], $0xffff  }
.Ltmp1:
0x13e: {  	v40 =	vmul.f32 v53, v32;
	v43 =	vmul.f32 v30, v11;
	v30 =	vshll.u32 v24, $0x10;
	v11 =	vld.idx.msk [tilespmem:v49+s5+$0x0], $0xffff;
	(pc) =	sbr.rel @p0 .LBB2_5-.Ltmp1, $4  }
0x13f: {  	v33 =	vmul.f32 v55, v33;
	v44 =	vmul.f32 v30, v12;
	v12 =	vshll.u32 v27, $0x10;
	v30 =	vld.idx.msk [tilespmem:v50+s5+$0x0], $0xffff  }
0x140: {  	v32 =	vmul.f32 v57, v35;
	v35 =	vmul.f32 v12, v13;
	v12 =	vshll.u32 v28, $0x10;
	v13 =	vld.idx.msk [tilespmem:v51+s5+$0x0], $0xffff  }
0x141: {  	v31 =	vmul.f32 v59, v36;
	v36 =	vmul.f32 v12, v14;
	v12 =	vshll.u32 v29, $0x10;
	v47 =	vld [tilespmem:s0+$0xC500]  }
0x142: {  	s3 =	sadd.s32 $0x100, s3;
	v14 =	vmul.f32 v61, v34;
	v12 =	vmul.f32 v12, v15;
	v15 =	vshll.u32 v9, $0x10;
	v34 =	vld [tilespmem:s0+$0xC510]  }
0x143: {  	v46 =	vadd.f32 v26, v46;
	v25 =	vadd.f32 v25, v45  }
0x144: {  	v5 =	vmul.f32 v37, v5;
	v6 =	vadd.f32 v38, v6;
	v20 =	vadd.f32 v20, v41  }
0x145: {  	v63 =	vshll.u32 v10, $0x10;
	v21 =	vadd.f32 v21, v42;
	v23 =	vadd.f32 v23, v43  }
0x146: {  	v2 =	vmul.f32 v15, v2;
	v24 =	vadd.f32 v24, v44;
	v15 =	vadd.f32 v39, v46  }
0x147: {  	v48 =	vshll.u32 v11, $0x10;
	v27 =	vadd.f32 v27, v35;
	v25 =	vadd.f32 v40, v25;
	[tilespmem:s0+$0x14100] =	vst v6  }
0x148: {  	v50 =	vld [tilespmem:s0+$0xC520];
	v28 =	vadd.f32 v28, v36;
	v1 =	vmul.f32 v63, v1;
	v20 =	vadd.f32 v33, v20;
	[tilespmem:s0+$0x14110] =	vst v15  }
0x149: {  	v51 =	vld [tilespmem:s0+$0xC530];
	v0 =	vmul.f32 v48, v0;
	v49 =	vshll.u32 v30, $0x10;
	v21 =	vadd.f32 v32, v21;
	[tilespmem:s0+$0x14120] =	vst v25  }
0x14a: {  	v52 =	vld [tilespmem:s0+$0xC540];
	v12 =	vadd.f32 v29, v12;
	v4 =	vmul.f32 v49, v4;
	v23 =	vadd.f32 v31, v23;
	[tilespmem:s0+$0x14130] =	vst v20  }
0x14b: {  	v54 =	vld [tilespmem:s0+$0xC550];
	v53 =	vshll.u32 v13, $0x10;
	v14 =	vadd.f32 v14, v24;
	v22 =	vmul.f32 v22, v47;
	[tilespmem:s0+$0x14140] =	vst v21  }
0x14c: {  	v55 =	vld [tilespmem:s0+$0xC560];
	v5 =	vadd.f32 v5, v27;
	v2 =	vadd.f32 v9, v2;
	v19 =	vmul.f32 v19, v34;
	[tilespmem:s0+$0x14150] =	vst v23  }
0x14d: {  	v3 =	vmul.f32 v53, v3;
	[tilespmem:s0+$0x14160] =	vst v14;
	v6 =	vmul.f32 v16, v50;
	v56 =	vadd.f32 v22, v28  }
0x14e: {  	v1 =	vadd.f32 v10, v1;
	[tilespmem:s0+$0x14170] =	vst v5;
	v57 =	vmul.f32 v17, v51;
	v58 =	vadd.f32 v19, v12  }
0x14f: {  	v0 =	vadd.f32 v11, v0;
	v59 =	vmul.f32 v18, v52;
	v2 =	vadd.f32 v6, v2;
	[tilespmem:s0+$0x14500] =	vst v56  }
0x150: {  	s30 =	sadd.s32 $0x1, s30;
	v4 =	vadd.f32 v30, v4;
	v60 =	vmul.f32 v7, v54;
	v1 =	vadd.f32 v57, v1;
	[tilespmem:s0+$0x14510] =	vst v58  }
0x151: {  	p0 =	sne.s32 s30, $0x10;
	v61 =	vmul.f32 v8, v55;
	v3 =	vadd.f32 v13, v3;
	v0 =	vadd.f32 v59, v0;
	[tilespmem:s0+$0x14520] =	vst v2  }
.Ltmp2:
0x152: {  	v62 =	vadd.f32 v60, v4;
	[tilespmem:s0+$0x14530] =	vst v1;
	(pc) =	sbr.rel @p0 .LBB2_2-.Ltmp2, $4  }
0x153: {  	v63 =	vadd.f32 v61, v3;
	[tilespmem:s0+$0x14540] =	vst v0  }
0x154: {  	[tilespmem:s0+$0x14550] =	vst v62  }
0x155: {  	s31 =	sadd.s32 s4, s31;
	[tilespmem:s0+$0x14560] =	vst v63  }
0x156: {  	[hbm4b:s31+s5] =	stream.linear.scatter [tilespmem:s25], [sflag:$0x6], $0x4000, $0x38;
	[tilespmem:$0x18100] =	vst v63  }
0x157: {  	s29 =	sadd.s32 $0x1, s29  }
0x158: {  	_ =	swait.ge [sflag:s26], $0x4000;
	p0 =	sne.s32 s29, s13  }
.Ltmp3:
0x159: {  	[sflag:s26] =	ssyncset.done $0x0;
	(pc) =	sbr.rel @p0 .LBB2_1-.Ltmp3, $4  }
0x15a: {  	[sflag:s26] =	ssyncadd.s32 $0xFFFFC000  }
0x15b: {  	_ =	swait.ge [sflag:s28], $0x4000  }
0x15c: {  	[sflag:s28] =	ssyncset.done $0x0  }
0x15d: {  	[sflag:s28] =	ssyncadd.s32 $0xFFFFC000  }
0x15e: {  	_ =	sfence.sel $0x180000  }
0x15f: {  	[bflag:$0x0] =	sbarrier.arrive $0xFFFF  }
0x160: {  	_ =	strace $0x90000047  }
0x161: {  	s0 =	stileid.u32;
	[bflag:$0x2] =	sbarrier.arrive $0xFFFF  }
0x162: {  	p0 =	sne.s32 s0, $0x0;
	s0 =	rddreg [dreg:$0x4]  }
0x163: {  	s0 =	sadd.s32 @!p0 $0x100000, s0  }
0x164: {  	[sflag:s0] =	ssyncadd.tile.s32 @!p0 $0x1;
	_ =	shalt  }
.Lfunc_end2:
_tile_overlayer_lowered:
.L_overlay_start_2:
0x165: {  	(tag) =	ssettag $0x2  }
0x166: {  	s0 =	rddreg [dreg:$0x0];
	s2 =	stileid.u32  }
0x167: {  	s1 =	rddreg [dreg:$0x1];
	p0 =	sne.s32 s2, $0x0  }
0x168: {  	s3 =	rddreg [dreg:$0x2];
	[bflag:$0x3] =	sbarrier.arrive $0xFFFF;
	s2 =	simm.s32 @!p0 $0x1C07  }
0x169: {  	[timem:s3], [sflag:s2] =	dma.local @!p0 [hbm:s0], s1  }
0x16a: {  	s0 =	simm.s32 @!p0 $0x7  }
0x16b: {  	_ =	swait.ge @!p0 [sflag:s0], s1  }
0x16c: {  	s1 =	ssub.s32 @!p0 $0x0, s1;
	[sflag:s0] =	ssyncset.done @!p0 $0x0  }
0x16d: {  	[sflag:s0] =	ssyncadd.s32 @!p0 s1  }
0x16e: {  	[bflag:$0x3] =	sbarrier.arrive $0xFFFF  }
0x16f: {  	_ =	shalt  }

</sc_bundles>
